<compile_context>
chip_gen: v7x
topology: tpu7x:2x2x1
jax: 0.10.2.dev20260603
libtpu: 0.0.44.dev20260713+nightly
codegen_flags: <defaults>
</compile_context>

<pallas_src>
import functools

import jax
import jax.numpy as jnp
from jax import lax
from jax.experimental import pallas as pl
from jax.experimental.pallas import tpu as pltpu
from jax.experimental.pallas import tpu_sc as plsc

_N = 16384
_EPS = 1e-5
_NW = 32
_CHUNK = _N // _NW

_DN_LT = (((0,), (0,)), ((), ()))

_SC_MESH = plsc.VectorSubcoreMesh(core_axis_name="c", subcore_axis_name="s")


@functools.partial(
    pl.kernel,
    out_type=jax.ShapeDtypeStruct((_NW * 32,), jnp.float32),
    mesh=_SC_MESH,
    compiler_params=pltpu.CompilerParams(needs_layout_passes=False),
    scratch_types=[
        pltpu.VMEM((_CHUNK,), jnp.float32),
        pltpu.VMEM((_CHUNK,), jnp.float32),
        pltpu.VMEM((32,), jnp.float32),
    ],
)
def _sc_index_hist(x0_hbm, x1_hbm, part_hbm, x0_v, x1_v, cnt_v):
    wid = lax.axis_index("s") * 2 + lax.axis_index("c")
    base = wid * _CHUNK
    pltpu.sync_copy(x0_hbm.at[pl.ds(base, _CHUNK)], x0_v)
    pltpu.sync_copy(x1_hbm.at[pl.ds(base, _CHUNK)], x1_v)
    lane = lax.iota(jnp.int32, 16)
    col0 = lane * 0

    def body(i, carry):
        c0, c1 = carry
        a = jnp.clip(x0_v[pl.ds(i * 16, 16)], 0.0, 3.0)
        b = jnp.clip(x1_v[pl.ds(i * 16, 16)], 0.0, 6.0)
        idx = (a * 7.0 + b).astype(jnp.int32)
        for k in range(28):
            n = plsc.all_reduce_population_count(idx == k)
            if k < 16:
                c0 = c0 + jnp.where(lane == k, n, 0)
            else:
                c1 = c1 + jnp.where(lane == k - 16, n, 0)
        return (c0, c1)

    c0, c1 = lax.fori_loop(0, _CHUNK // 16, body, (col0, col0))
    cnt_v[pl.ds(0, 16)] = c0.astype(jnp.float32)
    cnt_v[pl.ds(16, 16)] = c1.astype(jnp.float32)
    pltpu.sync_copy(cnt_v, part_hbm.at[pl.ds(wid * 32, 32)])


def _eye(k):
    return (lax.broadcasted_iota(jnp.int32, (k, k), 0)
            == lax.broadcasted_iota(jnp.int32, (k, k), 1)).astype(jnp.float32)


def _tc_body(x0_ref, x1_ref, part_ref, tt_ref, wt_ref, w1_ref, b1_ref, g1_ref,
             be1_ref, w2_ref, b2_ref, g2_ref, be2_ref, w3_ref, b3_ref,
             g3_ref, be3_ref, w4_ref, b4_ref, out_ref):
    f32 = jnp.float32
    hi = lax.Precision.HIGHEST
    p = part_ref[...]
    q = p[:, 0:32] + p[:, 32:64] + p[:, 64:96] + p[:, 96:128]
    counts = jnp.sum(q, axis=0, keepdims=True)

    krow_t = lax.broadcasted_iota(jnp.int32, (32, 4), 0)
    col_t = lax.broadcasted_iota(jnp.int32, (32, 4), 1)
    oh_tb = (krow_t // 7 == col_t).astype(f32)
    krow_w = lax.broadcasted_iota(jnp.int32, (32, 7), 0)
    col_w = lax.broadcasted_iota(jnp.int32, (32, 7), 1)
    oh_wd = (krow_w % 7 == col_w).astype(f32)
    emb_t = jnp.dot(oh_tb, tt_ref[...], preferred_element_type=f32, precision=hi)
    emb_w = jnp.dot(oh_wd, wt_ref[...], preferred_element_type=f32, precision=hi)
    emb = jnp.concatenate([emb_t, emb_w], axis=1)

    w1t = lax.dot_general(w1_ref[...], _eye(32), _DN_LT,
                          preferred_element_type=f32, precision=hi)
    w2t = lax.dot_general(w2_ref[...], _eye(16), _DN_LT,
                          preferred_element_type=f32, precision=hi)
    w3t = lax.dot_general(w3_ref[...], _eye(8), _DN_LT,
                          preferred_element_type=f32, precision=hi)
    w4t = lax.dot_general(w4_ref[...], jnp.ones((1, 1), f32), _DN_LT,
                          preferred_element_type=f32, precision=hi)

    h = jnp.dot(emb, w1t, preferred_element_type=f32) + b1_ref[...]

    inv_n = 1.0 / _N

    def bn_relu(ht, g_ref, be_ref):
        m = jnp.dot(counts, ht, preferred_element_type=f32, precision=hi) * inv_n
        d = ht - m
        v2 = jnp.dot(counts, d * d, preferred_element_type=f32, precision=hi) * inv_n
        return jnp.maximum(g_ref[...] * d / jnp.sqrt(v2 + _EPS) + be_ref[...], 0.0)

    h = bn_relu(h, g1_ref, be1_ref)
    h = jnp.dot(h, w2t, preferred_element_type=f32) + b2_ref[...]
    h = bn_relu(h, g2_ref, be2_ref)
    h = jnp.dot(h, w3t, preferred_element_type=f32) + b3_ref[...]
    h = bn_relu(h, g3_ref, be3_ref)
    tab_col = jnp.dot(h, w4t, preferred_element_type=f32) + b4_ref[...]

    tb2 = jnp.clip(x0_ref[...], 0.0, 3.0)
    wd2 = jnp.clip(x1_ref[...], 0.0, 6.0)
    idx2d = (tb2 * 7.0 + wd2).astype(jnp.int32)
    out = jnp.zeros((128, 128), f32)
    for k in range(28):
        out = out + jnp.where(idx2d == k, tab_col[k, 0], 0.0)
    out_ref[...] = out


def kernel(x, time_table, weekday_table, W1, b1, g1, be1, W2, b2, g2, be2,
           W3, b3, g3, be3, W4, b4):
    f32 = jnp.float32
    x0 = x[:, 0]
    x1 = x[:, 1]
    part = _sc_index_hist(x0, x1)
    out2d = pl.pallas_call(
        _tc_body,
        out_shape=jax.ShapeDtypeStruct((128, 128), f32),
    )(
        x0.reshape(128, 128), x1.reshape(128, 128), part.reshape(8, 128),
        time_table,
        weekday_table,
        W1, b1.reshape(1, 32), g1.reshape(1, 32), be1.reshape(1, 32),
        W2, b2.reshape(1, 16), g2.reshape(1, 16), be2.reshape(1, 16),
        W3, b3.reshape(1, 8), g3.reshape(1, 8), be3.reshape(1, 8),
        W4, b4.reshape(1, 1),
    )
    return out2d.reshape(_N, 1)

# --- scband reference (transcript-rebuilt; emitter-appended) ---
"""Pipeline reference for scband-temporal-model-19713899889210 (READ-ONLY COPY).

The authoritative reference and input builder live on the scoring server;
editing this copy changes nothing except your own understanding.
"""

import jax, jax.numpy as jnp
import numpy as np


def _bn(x, g, b, eps=1e-5):
    m = jnp.mean(x, axis=0)
    v = jnp.var(x, axis=0)
    return g * (x - m) / jnp.sqrt(v + eps) + b


def setup_inputs(seed: int = 0) -> dict:
    key = jax.random.key(seed)
    ks = jax.random.split(key, 20)
    x = jax.random.randint(ks[0], (16384, 2), 0, 7).astype(jnp.float32)
    d = {"x": x}
    d["time_table"] = jax.random.normal(ks[1], (4, 8), dtype=jnp.float32)
    d["weekday_table"] = jax.random.normal(ks[2], (7, 8), dtype=jnp.float32)
    d["W1"] = jax.random.normal(ks[3], (32, 16), dtype=jnp.float32) * 0.1
    d["b1"] = jnp.zeros((32,), dtype=jnp.float32)
    d["g1"] = jnp.ones((32,), dtype=jnp.float32)
    d["be1"] = jnp.zeros((32,), dtype=jnp.float32)
    d["W2"] = jax.random.normal(ks[4], (16, 32), dtype=jnp.float32) * 0.1
    d["b2"] = jnp.zeros((16,), dtype=jnp.float32)
    d["g2"] = jnp.ones((16,), dtype=jnp.float32)
    d["be2"] = jnp.zeros((16,), dtype=jnp.float32)
    d["W3"] = jax.random.normal(ks[5], (8, 16), dtype=jnp.float32) * 0.1
    d["b3"] = jnp.zeros((8,), dtype=jnp.float32)
    d["g3"] = jnp.ones((8,), dtype=jnp.float32)
    d["be3"] = jnp.zeros((8,), dtype=jnp.float32)
    d["W4"] = jax.random.normal(ks[6], (1, 8), dtype=jnp.float32) * 0.1
    d["b4"] = jnp.zeros((1,), dtype=jnp.float32)
    return d


def reference(x, time_table, weekday_table, W1, b1, g1, be1, W2, b2, g2, be2, W3, b3, g3, be3, W4, b4):
    tb = jnp.clip(x[:, 0].astype(jnp.int32), 0, 3)
    wd = jnp.clip(x[:, 1].astype(jnp.int32), 0, 6)
    time_emb = jnp.take(time_table, tb, axis=0)
    weekday_emb = jnp.take(weekday_table, wd, axis=0)
    h = jnp.concatenate([time_emb, weekday_emb], axis=1)
    h = h @ W1.T + b1
    h = jax.nn.relu(_bn(h, g1, be1))
    h = h @ W2.T + b2
    h = jax.nn.relu(_bn(h, g2, be2))
    h = h @ W3.T + b3
    h = jax.nn.relu(_bn(h, g3, be3))
    out = h @ W4.T + b4
    return out

if __name__ == "__main__":
    import jax
    _d = setup_inputs()
    print(jax.jit(kernel)(*tuple(_d.values())))

</pallas_src>

<mosaic_0001>
#map = affine_map<(d0, d1) -> (0)>
module attributes {stable_mosaic.version = 14 : i64} {
  func.func @_sc_index_hist(%arg0: i32, %arg1: i32, %arg2: memref<16384xf32, #tpu.memory_space<hbm>>, %arg3: memref<16384xf32, #tpu.memory_space<hbm>>, %arg4: memref<1024xf32, #tpu.memory_space<hbm>>, %arg5: memref<512xf32, #tpu.memory_space<vmem>>, %arg6: memref<512xf32, #tpu.memory_space<vmem>>, %arg7: memref<32xf32, #tpu.memory_space<vmem>>) attributes {dimension_semantics = [#tpu.dimension_semantics<core_parallel>, #tpu.dimension_semantics<subcore_parallel>], iteration_bounds = array<i64: 2, 16>, scalar_prefetch = 0 : i64, scratch_operands = 3 : i64, tpu.core_type = #tpu.core_type<sc_vector_subcore>, window_params = [{transform_indices = #map}, {transform_indices = #map}, {transform_indices = #map}]} {
    %mul3A = arith.constant 2 : i32
    %mul3A_0 = arith.muli %arg1, %mul3A : i32
    %add3A = arith.addi %mul3A_0, %arg0 : i32
    %mul3A_1 = arith.constant 512 : i32
    %mul3A_2 = arith.muli %add3A, %mul3A_1 : i32
    "tpu.region"() ({
      %run_scoped3A = tpu.sem_alloc : memref<!tpu.dma_semaphore, #tpu.memory_space<semaphore_mem>>
      %dma_start3A = tpu.memref_slice %arg2[%mul3A_2] : memref<16384xf32, #tpu.memory_space<hbm>> -> memref<512xf32, #tpu.memory_space<hbm>>
      %dma_start3A_17 = tpu.memref_slice %arg2[%mul3A_2] : memref<16384xf32, #tpu.memory_space<hbm>> -> memref<512xf32, #tpu.memory_space<hbm>>
      tpu.enqueue_dma source(%dma_start3A_17 : memref<512xf32, #tpu.memory_space<hbm>>) target(%arg5 : memref<512xf32, #tpu.memory_space<vmem>>) target_semaphore(%run_scoped3A : memref<!tpu.dma_semaphore, #tpu.memory_space<semaphore_mem>>)
      %dma_wait3A = tpu.memref_slice %arg2[%mul3A_2] : memref<16384xf32, #tpu.memory_space<hbm>> -> memref<512xf32, #tpu.memory_space<hbm>>
      %dma_wait3A_18 = tpu.memref_slice %arg2[%mul3A_2] : memref<16384xf32, #tpu.memory_space<hbm>> -> memref<512xf32, #tpu.memory_space<hbm>>
      tpu.wait_dma2 semaphore(%run_scoped3A : memref<!tpu.dma_semaphore, #tpu.memory_space<semaphore_mem>>) src(%dma_wait3A_18 : memref<512xf32, #tpu.memory_space<hbm>>) dst(%arg5 : memref<512xf32, #tpu.memory_space<vmem>>)
      tpu.yield
    }) : () -> ()
    "tpu.region"() ({
      %run_scoped3A = tpu.sem_alloc : memref<!tpu.dma_semaphore, #tpu.memory_space<semaphore_mem>>
      %dma_start3A = tpu.memref_slice %arg3[%mul3A_2] : memref<16384xf32, #tpu.memory_space<hbm>> -> memref<512xf32, #tpu.memory_space<hbm>>
      %dma_start3A_17 = tpu.memref_slice %arg3[%mul3A_2] : memref<16384xf32, #tpu.memory_space<hbm>> -> memref<512xf32, #tpu.memory_space<hbm>>
      tpu.enqueue_dma source(%dma_start3A_17 : memref<512xf32, #tpu.memory_space<hbm>>) target(%arg6 : memref<512xf32, #tpu.memory_space<vmem>>) target_semaphore(%run_scoped3A : memref<!tpu.dma_semaphore, #tpu.memory_space<semaphore_mem>>)
      %dma_wait3A = tpu.memref_slice %arg3[%mul3A_2] : memref<16384xf32, #tpu.memory_space<hbm>> -> memref<512xf32, #tpu.memory_space<hbm>>
      %dma_wait3A_18 = tpu.memref_slice %arg3[%mul3A_2] : memref<16384xf32, #tpu.memory_space<hbm>> -> memref<512xf32, #tpu.memory_space<hbm>>
      tpu.wait_dma2 semaphore(%run_scoped3A : memref<!tpu.dma_semaphore, #tpu.memory_space<semaphore_mem>>) src(%dma_wait3A_18 : memref<512xf32, #tpu.memory_space<hbm>>) dst(%arg6 : memref<512xf32, #tpu.memory_space<vmem>>)
      tpu.yield
    }) : () -> ()
    %iota3A = tpu.iota {dimensions = array<i32: 0>} : vector<16xi32>
    %mul3A_3 = arith.constant 0 : i32
    %mul3A_4 = vector.broadcast %mul3A_3 : i32 to vector<16xi32>
    %mul3A_5 = arith.muli %iota3A, %mul3A_4 : vector<16xi32>
    %scan3A = arith.constant 0 : i32
    %scan3A_6 = arith.constant 32 : i32
    %scan3A_7 = arith.addi %scan3A, %scan3A_6 : i32
    %scan3A_8 = arith.constant 1 : i32
    %scan3A_9:2 = scf.for %scan3A_17 = %scan3A to %scan3A_7 step %scan3A_8 iter_args(%scan3A_18 = %mul3A_5, %scan3A_19 = %mul3A_5) -> (vector<16xi32>, vector<16xi32>)  : i32 {
      %mul3A_20 = arith.constant 16 : i32
      %mul3A_21 = arith.muli %scan3A_17, %mul3A_20 : i32
      %get3A = arith.index_cast %mul3A_21 : i32 to index
      %get3A_22 = tpu.vector_load %arg5[%get3A] {strides = array<i32>} : memref<512xf32, #tpu.memory_space<vmem>>, vector<16xf32>,
      %jit3A = arith.constant 0.000000e+00 : f32
      %jit3A_23 = arith.constant 3.000000e+00 : f32
      %max3A = vector.broadcast %jit3A : f32 to vector<16xf32>
      %max3A_24 = arith.maximumf %max3A, %get3A_22 : vector<16xf32>
      %min3A = vector.broadcast %jit3A_23 : f32 to vector<16xf32>
      %min3A_25 = arith.minimumf %min3A, %max3A_24 : vector<16xf32>
      %mul3A_26 = arith.constant 16 : i32
      %mul3A_27 = arith.muli %scan3A_17, %mul3A_26 : i32
      %get3A_28 = arith.index_cast %mul3A_27 : i32 to index
      %get3A_29 = tpu.vector_load %arg6[%get3A_28] {strides = array<i32>} : memref<512xf32, #tpu.memory_space<vmem>>, vector<16xf32>,
      %jit3A_30 = arith.constant 0.000000e+00 : f32
      %jit3A_31 = arith.constant 6.000000e+00 : f32
      %max3A_32 = vector.broadcast %jit3A_30 : f32 to vector<16xf32>
      %max3A_33 = arith.maximumf %max3A_32, %get3A_29 : vector<16xf32>
      %min3A_34 = vector.broadcast %jit3A_31 : f32 to vector<16xf32>
      %min3A_35 = arith.minimumf %min3A_34, %max3A_33 : vector<16xf32>
      %mul3A_36 = arith.constant 7.000000e+00 : f32
      %mul3A_37 = vector.broadcast %mul3A_36 : f32 to vector<16xf32>
      %mul3A_38 = arith.mulf %min3A_25, %mul3A_37 : vector<16xf32>
      %add3A_39 = arith.addf %mul3A_38, %min3A_35 : vector<16xf32>
      %convert_element_type3A_40 = arith.fptosi %add3A_39 : vector<16xf32> to vector<16xi32>
      %eq3A = arith.constant 0 : i32
      %eq3A_41 = vector.broadcast %eq3A : i32 to vector<16xi32>
      %eq3A_42 = arith.cmpi eq, %convert_element_type3A_40, %eq3A_41 : vector<16xi32>
      %all_reduce_population_count3A = tpu.all_reduce %eq3A_42 {dim = 0 : i64, kind = #tpu.reduction_kind<sum>} : vector<16xi1> -> vector<16xi32>
      %eq3A_43 = arith.constant 0 : i32
      %eq3A_44 = vector.broadcast %eq3A_43 : i32 to vector<16xi32>
      %eq3A_45 = arith.cmpi eq, %iota3A, %eq3A_44 : vector<16xi32>
      %jit3A_46 = arith.constant 0 : i32
      %broadcast_in_dim3A = vector.broadcast %jit3A_46 : i32 to vector<16xi32>
      %select_n3A = arith.select %eq3A_45, %all_reduce_population_count3A, %broadcast_in_dim3A : vector<16xi1>, vector<16xi32>
      %add3A_47 = arith.addi %scan3A_18, %select_n3A : vector<16xi32>
      %eq3A_48 = arith.constant 1 : i32
      %eq3A_49 = vector.broadcast %eq3A_48 : i32 to vector<16xi32>
      %eq3A_50 = arith.cmpi eq, %convert_element_type3A_40, %eq3A_49 : vector<16xi32>
      %all_reduce_population_count3A_51 = tpu.all_reduce %eq3A_50 {dim = 0 : i64, kind = #tpu.reduction_kind<sum>} : vector<16xi1> -> vector<16xi32>
      %eq3A_52 = arith.constant 1 : i32
      %eq3A_53 = vector.broadcast %eq3A_52 : i32 to vector<16xi32>
      %eq3A_54 = arith.cmpi eq, %iota3A, %eq3A_53 : vector<16xi32>
      %jit3A_55 = arith.constant 0 : i32
      %broadcast_in_dim3A_56 = vector.broadcast %jit3A_55 : i32 to vector<16xi32>
      %select_n3A_57 = arith.select %eq3A_54, %all_reduce_population_count3A_51, %broadcast_in_dim3A_56 : vector<16xi1>, vector<16xi32>
      %add3A_58 = arith.addi %add3A_47, %select_n3A_57 : vector<16xi32>
      %eq3A_59 = arith.constant 2 : i32
      %eq3A_60 = vector.broadcast %eq3A_59 : i32 to vector<16xi32>
      %eq3A_61 = arith.cmpi eq, %convert_element_type3A_40, %eq3A_60 : vector<16xi32>
      %all_reduce_population_count3A_62 = tpu.all_reduce %eq3A_61 {dim = 0 : i64, kind = #tpu.reduction_kind<sum>} : vector<16xi1> -> vector<16xi32>
      %eq3A_63 = arith.constant 2 : i32
      %eq3A_64 = vector.broadcast %eq3A_63 : i32 to vector<16xi32>
      %eq3A_65 = arith.cmpi eq, %iota3A, %eq3A_64 : vector<16xi32>
      %jit3A_66 = arith.constant 0 : i32
      %broadcast_in_dim3A_67 = vector.broadcast %jit3A_66 : i32 to vector<16xi32>
      %select_n3A_68 = arith.select %eq3A_65, %all_reduce_population_count3A_62, %broadcast_in_dim3A_67 : vector<16xi1>, vector<16xi32>
      %add3A_69 = arith.addi %add3A_58, %select_n3A_68 : vector<16xi32>
      %eq3A_70 = arith.constant 3 : i32
      %eq3A_71 = vector.broadcast %eq3A_70 : i32 to vector<16xi32>
      %eq3A_72 = arith.cmpi eq, %convert_element_type3A_40, %eq3A_71 : vector<16xi32>
      %all_reduce_population_count3A_73 = tpu.all_reduce %eq3A_72 {dim = 0 : i64, kind = #tpu.reduction_kind<sum>} : vector<16xi1> -> vector<16xi32>
      %eq3A_74 = arith.constant 3 : i32
      %eq3A_75 = vector.broadcast %eq3A_74 : i32 to vector<16xi32>
      %eq3A_76 = arith.cmpi eq, %iota3A, %eq3A_75 : vector<16xi32>
      %jit3A_77 = arith.constant 0 : i32
      %broadcast_in_dim3A_78 = vector.broadcast %jit3A_77 : i32 to vector<16xi32>
      %select_n3A_79 = arith.select %eq3A_76, %all_reduce_population_count3A_73, %broadcast_in_dim3A_78 : vector<16xi1>, vector<16xi32>
      %add3A_80 = arith.addi %add3A_69, %select_n3A_79 : vector<16xi32>
      %eq3A_81 = arith.constant 4 : i32
      %eq3A_82 = vector.broadcast %eq3A_81 : i32 to vector<16xi32>
      %eq3A_83 = arith.cmpi eq, %convert_element_type3A_40, %eq3A_82 : vector<16xi32>
      %all_reduce_population_count3A_84 = tpu.all_reduce %eq3A_83 {dim = 0 : i64, kind = #tpu.reduction_kind<sum>} : vector<16xi1> -> vector<16xi32>
      %eq3A_85 = arith.constant 4 : i32
      %eq3A_86 = vector.broadcast %eq3A_85 : i32 to vector<16xi32>
      %eq3A_87 = arith.cmpi eq, %iota3A, %eq3A_86 : vector<16xi32>
      %jit3A_88 = arith.constant 0 : i32
      %broadcast_in_dim3A_89 = vector.broadcast %jit3A_88 : i32 to vector<16xi32>
      %select_n3A_90 = arith.select %eq3A_87, %all_reduce_population_count3A_84, %broadcast_in_dim3A_89 : vector<16xi1>, vector<16xi32>
      %add3A_91 = arith.addi %add3A_80, %select_n3A_90 : vector<16xi32>
      %eq3A_92 = arith.constant 5 : i32
      %eq3A_93 = vector.broadcast %eq3A_92 : i32 to vector<16xi32>
      %eq3A_94 = arith.cmpi eq, %convert_element_type3A_40, %eq3A_93 : vector<16xi32>
      %all_reduce_population_count3A_95 = tpu.all_reduce %eq3A_94 {dim = 0 : i64, kind = #tpu.reduction_kind<sum>} : vector<16xi1> -> vector<16xi32>
      %eq3A_96 = arith.constant 5 : i32
      %eq3A_97 = vector.broadcast %eq3A_96 : i32 to vector<16xi32>
      %eq3A_98 = arith.cmpi eq, %iota3A, %eq3A_97 : vector<16xi32>
      %jit3A_99 = arith.constant 0 : i32
      %broadcast_in_dim3A_100 = vector.broadcast %jit3A_99 : i32 to vector<16xi32>
      %select_n3A_101 = arith.select %eq3A_98, %all_reduce_population_count3A_95, %broadcast_in_dim3A_100 : vector<16xi1>, vector<16xi32>
      %add3A_102 = arith.addi %add3A_91, %select_n3A_101 : vector<16xi32>
      %eq3A_103 = arith.constant 6 : i32
      %eq3A_104 = vector.broadcast %eq3A_103 : i32 to vector<16xi32>
      %eq3A_105 = arith.cmpi eq, %convert_element_type3A_40, %eq3A_104 : vector<16xi32>
      %all_reduce_population_count3A_106 = tpu.all_reduce %eq3A_105 {dim = 0 : i64, kind = #tpu.reduction_kind<sum>} : vector<16xi1> -> vector<16xi32>
      %eq3A_107 = arith.constant 6 : i32
      %eq3A_108 = vector.broadcast %eq3A_107 : i32 to vector<16xi32>
      %eq3A_109 = arith.cmpi eq, %iota3A, %eq3A_108 : vector<16xi32>
      %jit3A_110 = arith.constant 0 : i32
      %broadcast_in_dim3A_111 = vector.broadcast %jit3A_110 : i32 to vector<16xi32>
      %select_n3A_112 = arith.select %eq3A_109, %all_reduce_population_count3A_106, %broadcast_in_dim3A_111 : vector<16xi1>, vector<16xi32>
      %add3A_113 = arith.addi %add3A_102, %select_n3A_112 : vector<16xi32>
      %eq3A_114 = arith.constant 7 : i32
      %eq3A_115 = vector.broadcast %eq3A_114 : i32 to vector<16xi32>
      %eq3A_116 = arith.cmpi eq, %convert_element_type3A_40, %eq3A_115 : vector<16xi32>
      %all_reduce_population_count3A_117 = tpu.all_reduce %eq3A_116 {dim = 0 : i64, kind = #tpu.reduction_kind<sum>} : vector<16xi1> -> vector<16xi32>
      %eq3A_118 = arith.constant 7 : i32
      %eq3A_119 = vector.broadcast %eq3A_118 : i32 to vector<16xi32>
      %eq3A_120 = arith.cmpi eq, %iota3A, %eq3A_119 : vector<16xi32>
      %jit3A_121 = arith.constant 0 : i32
      %broadcast_in_dim3A_122 = vector.broadcast %jit3A_121 : i32 to vector<16xi32>
      %select_n3A_123 = arith.select %eq3A_120, %all_reduce_population_count3A_117, %broadcast_in_dim3A_122 : vector<16xi1>, vector<16xi32>
      %add3A_124 = arith.addi %add3A_113, %select_n3A_123 : vector<16xi32>
      %eq3A_125 = arith.constant 8 : i32
      %eq3A_126 = vector.broadcast %eq3A_125 : i32 to vector<16xi32>
      %eq3A_127 = arith.cmpi eq, %convert_element_type3A_40, %eq3A_126 : vector<16xi32>
      %all_reduce_population_count3A_128 = tpu.all_reduce %eq3A_127 {dim = 0 : i64, kind = #tpu.reduction_kind<sum>} : vector<16xi1> -> vector<16xi32>
      %eq3A_129 = arith.constant 8 : i32
      %eq3A_130 = vector.broadcast %eq3A_129 : i32 to vector<16xi32>
      %eq3A_131 = arith.cmpi eq, %iota3A, %eq3A_130 : vector<16xi32>
      %jit3A_132 = arith.constant 0 : i32
      %broadcast_in_dim3A_133 = vector.broadcast %jit3A_132 : i32 to vector<16xi32>
      %select_n3A_134 = arith.select %eq3A_131, %all_reduce_population_count3A_128, %broadcast_in_dim3A_133 : vector<16xi1>, vector<16xi32>
      %add3A_135 = arith.addi %add3A_124, %select_n3A_134 : vector<16xi32>
      %eq3A_136 = arith.constant 9 : i32
      %eq3A_137 = vector.broadcast %eq3A_136 : i32 to vector<16xi32>
      %eq3A_138 = arith.cmpi eq, %convert_element_type3A_40, %eq3A_137 : vector<16xi32>
      %all_reduce_population_count3A_139 = tpu.all_reduce %eq3A_138 {dim = 0 : i64, kind = #tpu.reduction_kind<sum>} : vector<16xi1> -> vector<16xi32>
      %eq3A_140 = arith.constant 9 : i32
      %eq3A_141 = vector.broadcast %eq3A_140 : i32 to vector<16xi32>
      %eq3A_142 = arith.cmpi eq, %iota3A, %eq3A_141 : vector<16xi32>
      %jit3A_143 = arith.constant 0 : i32
      %broadcast_in_dim3A_144 = vector.broadcast %jit3A_143 : i32 to vector<16xi32>
      %select_n3A_145 = arith.select %eq3A_142, %all_reduce_population_count3A_139, %broadcast_in_dim3A_144 : vector<16xi1>, vector<16xi32>
      %add3A_146 = arith.addi %add3A_135, %select_n3A_145 : vector<16xi32>
      %eq3A_147 = arith.constant 10 : i32
      %eq3A_148 = vector.broadcast %eq3A_147 : i32 to vector<16xi32>
      %eq3A_149 = arith.cmpi eq, %convert_element_type3A_40, %eq3A_148 : vector<16xi32>
      %all_reduce_population_count3A_150 = tpu.all_reduce %eq3A_149 {dim = 0 : i64, kind = #tpu.reduction_kind<sum>} : vector<16xi1> -> vector<16xi32>
      %eq3A_151 = arith.constant 10 : i32
      %eq3A_152 = vector.broadcast %eq3A_151 : i32 to vector<16xi32>
      %eq3A_153 = arith.cmpi eq, %iota3A, %eq3A_152 : vector<16xi32>
      %jit3A_154 = arith.constant 0 : i32
      %broadcast_in_dim3A_155 = vector.broadcast %jit3A_154 : i32 to vector<16xi32>
      %select_n3A_156 = arith.select %eq3A_153, %all_reduce_population_count3A_150, %broadcast_in_dim3A_155 : vector<16xi1>, vector<16xi32>
      %add3A_157 = arith.addi %add3A_146, %select_n3A_156 : vector<16xi32>
      %eq3A_158 = arith.constant 11 : i32
      %eq3A_159 = vector.broadcast %eq3A_158 : i32 to vector<16xi32>
      %eq3A_160 = arith.cmpi eq, %convert_element_type3A_40, %eq3A_159 : vector<16xi32>
      %all_reduce_population_count3A_161 = tpu.all_reduce %eq3A_160 {dim = 0 : i64, kind = #tpu.reduction_kind<sum>} : vector<16xi1> -> vector<16xi32>
      %eq3A_162 = arith.constant 11 : i32
      %eq3A_163 = vector.broadcast %eq3A_162 : i32 to vector<16xi32>
      %eq3A_164 = arith.cmpi eq, %iota3A, %eq3A_163 : vector<16xi32>
      %jit3A_165 = arith.constant 0 : i32
      %broadcast_in_dim3A_166 = vector.broadcast %jit3A_165 : i32 to vector<16xi32>
      %select_n3A_167 = arith.select %eq3A_164, %all_reduce_population_count3A_161, %broadcast_in_dim3A_166 : vector<16xi1>, vector<16xi32>
      %add3A_168 = arith.addi %add3A_157, %select_n3A_167 : vector<16xi32>
      %eq3A_169 = arith.constant 12 : i32
      %eq3A_170 = vector.broadcast %eq3A_169 : i32 to vector<16xi32>
      %eq3A_171 = arith.cmpi eq, %convert_element_type3A_40, %eq3A_170 : vector<16xi32>
      %all_reduce_population_count3A_172 = tpu.all_reduce %eq3A_171 {dim = 0 : i64, kind = #tpu.reduction_kind<sum>} : vector<16xi1> -> vector<16xi32>
      %eq3A_173 = arith.constant 12 : i32
      %eq3A_174 = vector.broadcast %eq3A_173 : i32 to vector<16xi32>
      %eq3A_175 = arith.cmpi eq, %iota3A, %eq3A_174 : vector<16xi32>
      %jit3A_176 = arith.constant 0 : i32
      %broadcast_in_dim3A_177 = vector.broadcast %jit3A_176 : i32 to vector<16xi32>
      %select_n3A_178 = arith.select %eq3A_175, %all_reduce_population_count3A_172, %broadcast_in_dim3A_177 : vector<16xi1>, vector<16xi32>
      %add3A_179 = arith.addi %add3A_168, %select_n3A_178 : vector<16xi32>
      %eq3A_180 = arith.constant 13 : i32
      %eq3A_181 = vector.broadcast %eq3A_180 : i32 to vector<16xi32>
      %eq3A_182 = arith.cmpi eq, %convert_element_type3A_40, %eq3A_181 : vector<16xi32>
      %all_reduce_population_count3A_183 = tpu.all_reduce %eq3A_182 {dim = 0 : i64, kind = #tpu.reduction_kind<sum>} : vector<16xi1> -> vector<16xi32>
      %eq3A_184 = arith.constant 13 : i32
      %eq3A_185 = vector.broadcast %eq3A_184 : i32 to vector<16xi32>
      %eq3A_186 = arith.cmpi eq, %iota3A, %eq3A_185 : vector<16xi32>
      %jit3A_187 = arith.constant 0 : i32
      %broadcast_in_dim3A_188 = vector.broadcast %jit3A_187 : i32 to vector<16xi32>
      %select_n3A_189 = arith.select %eq3A_186, %all_reduce_population_count3A_183, %broadcast_in_dim3A_188 : vector<16xi1>, vector<16xi32>
      %add3A_190 = arith.addi %add3A_179, %select_n3A_189 : vector<16xi32>
      %eq3A_191 = arith.constant 14 : i32
      %eq3A_192 = vector.broadcast %eq3A_191 : i32 to vector<16xi32>
      %eq3A_193 = arith.cmpi eq, %convert_element_type3A_40, %eq3A_192 : vector<16xi32>
      %all_reduce_population_count3A_194 = tpu.all_reduce %eq3A_193 {dim = 0 : i64, kind = #tpu.reduction_kind<sum>} : vector<16xi1> -> vector<16xi32>
      %eq3A_195 = arith.constant 14 : i32
      %eq3A_196 = vector.broadcast %eq3A_195 : i32 to vector<16xi32>
      %eq3A_197 = arith.cmpi eq, %iota3A, %eq3A_196 : vector<16xi32>
      %jit3A_198 = arith.constant 0 : i32
      %broadcast_in_dim3A_199 = vector.broadcast %jit3A_198 : i32 to vector<16xi32>
      %select_n3A_200 = arith.select %eq3A_197, %all_reduce_population_count3A_194, %broadcast_in_dim3A_199 : vector<16xi1>, vector<16xi32>
      %add3A_201 = arith.addi %add3A_190, %select_n3A_200 : vector<16xi32>
      %eq3A_202 = arith.constant 15 : i32
      %eq3A_203 = vector.broadcast %eq3A_202 : i32 to vector<16xi32>
      %eq3A_204 = arith.cmpi eq, %convert_element_type3A_40, %eq3A_203 : vector<16xi32>
      %all_reduce_population_count3A_205 = tpu.all_reduce %eq3A_204 {dim = 0 : i64, kind = #tpu.reduction_kind<sum>} : vector<16xi1> -> vector<16xi32>
      %eq3A_206 = arith.constant 15 : i32
      %eq3A_207 = vector.broadcast %eq3A_206 : i32 to vector<16xi32>
      %eq3A_208 = arith.cmpi eq, %iota3A, %eq3A_207 : vector<16xi32>
      %jit3A_209 = arith.constant 0 : i32
      %broadcast_in_dim3A_210 = vector.broadcast %jit3A_209 : i32 to vector<16xi32>
      %select_n3A_211 = arith.select %eq3A_208, %all_reduce_population_count3A_205, %broadcast_in_dim3A_210 : vector<16xi1>, vector<16xi32>
      %add3A_212 = arith.addi %add3A_201, %select_n3A_211 : vector<16xi32>
      %eq3A_213 = arith.constant 16 : i32
      %eq3A_214 = vector.broadcast %eq3A_213 : i32 to vector<16xi32>
      %eq3A_215 = arith.cmpi eq, %convert_element_type3A_40, %eq3A_214 : vector<16xi32>
      %all_reduce_population_count3A_216 = tpu.all_reduce %eq3A_215 {dim = 0 : i64, kind = #tpu.reduction_kind<sum>} : vector<16xi1> -> vector<16xi32>
      %eq3A_217 = arith.constant 0 : i32
      %eq3A_218 = vector.broadcast %eq3A_217 : i32 to vector<16xi32>
      %eq3A_219 = arith.cmpi eq, %iota3A, %eq3A_218 : vector<16xi32>
      %jit3A_220 = arith.constant 0 : i32
      %broadcast_in_dim3A_221 = vector.broadcast %jit3A_220 : i32 to vector<16xi32>
      %select_n3A_222 = arith.select %eq3A_219, %all_reduce_population_count3A_216, %broadcast_in_dim3A_221 : vector<16xi1>, vector<16xi32>
      %add3A_223 = arith.addi %scan3A_19, %select_n3A_222 : vector<16xi32>
      %eq3A_224 = arith.constant 17 : i32
      %eq3A_225 = vector.broadcast %eq3A_224 : i32 to vector<16xi32>
      %eq3A_226 = arith.cmpi eq, %convert_element_type3A_40, %eq3A_225 : vector<16xi32>
      %all_reduce_population_count3A_227 = tpu.all_reduce %eq3A_226 {dim = 0 : i64, kind = #tpu.reduction_kind<sum>} : vector<16xi1> -> vector<16xi32>
      %eq3A_228 = arith.constant 1 : i32
      %eq3A_229 = vector.broadcast %eq3A_228 : i32 to vector<16xi32>
      %eq3A_230 = arith.cmpi eq, %iota3A, %eq3A_229 : vector<16xi32>
      %jit3A_231 = arith.constant 0 : i32
      %broadcast_in_dim3A_232 = vector.broadcast %jit3A_231 : i32 to vector<16xi32>
      %select_n3A_233 = arith.select %eq3A_230, %all_reduce_population_count3A_227, %broadcast_in_dim3A_232 : vector<16xi1>, vector<16xi32>
      %add3A_234 = arith.addi %add3A_223, %select_n3A_233 : vector<16xi32>
      %eq3A_235 = arith.constant 18 : i32
      %eq3A_236 = vector.broadcast %eq3A_235 : i32 to vector<16xi32>
      %eq3A_237 = arith.cmpi eq, %convert_element_type3A_40, %eq3A_236 : vector<16xi32>
      %all_reduce_population_count3A_238 = tpu.all_reduce %eq3A_237 {dim = 0 : i64, kind = #tpu.reduction_kind<sum>} : vector<16xi1> -> vector<16xi32>
      %eq3A_239 = arith.constant 2 : i32
      %eq3A_240 = vector.broadcast %eq3A_239 : i32 to vector<16xi32>
      %eq3A_241 = arith.cmpi eq, %iota3A, %eq3A_240 : vector<16xi32>
      %jit3A_242 = arith.constant 0 : i32
      %broadcast_in_dim3A_243 = vector.broadcast %jit3A_242 : i32 to vector<16xi32>
      %select_n3A_244 = arith.select %eq3A_241, %all_reduce_population_count3A_238, %broadcast_in_dim3A_243 : vector<16xi1>, vector<16xi32>
      %add3A_245 = arith.addi %add3A_234, %select_n3A_244 : vector<16xi32>
      %eq3A_246 = arith.constant 19 : i32
      %eq3A_247 = vector.broadcast %eq3A_246 : i32 to vector<16xi32>
      %eq3A_248 = arith.cmpi eq, %convert_element_type3A_40, %eq3A_247 : vector<16xi32>
      %all_reduce_population_count3A_249 = tpu.all_reduce %eq3A_248 {dim = 0 : i64, kind = #tpu.reduction_kind<sum>} : vector<16xi1> -> vector<16xi32>
      %eq3A_250 = arith.constant 3 : i32
      %eq3A_251 = vector.broadcast %eq3A_250 : i32 to vector<16xi32>
      %eq3A_252 = arith.cmpi eq, %iota3A, %eq3A_251 : vector<16xi32>
      %jit3A_253 = arith.constant 0 : i32
      %broadcast_in_dim3A_254 = vector.broadcast %jit3A_253 : i32 to vector<16xi32>
      %select_n3A_255 = arith.select %eq3A_252, %all_reduce_population_count3A_249, %broadcast_in_dim3A_254 : vector<16xi1>, vector<16xi32>
      %add3A_256 = arith.addi %add3A_245, %select_n3A_255 : vector<16xi32>
      %eq3A_257 = arith.constant 20 : i32
      %eq3A_258 = vector.broadcast %eq3A_257 : i32 to vector<16xi32>
      %eq3A_259 = arith.cmpi eq, %convert_element_type3A_40, %eq3A_258 : vector<16xi32>
      %all_reduce_population_count3A_260 = tpu.all_reduce %eq3A_259 {dim = 0 : i64, kind = #tpu.reduction_kind<sum>} : vector<16xi1> -> vector<16xi32>
      %eq3A_261 = arith.constant 4 : i32
      %eq3A_262 = vector.broadcast %eq3A_261 : i32 to vector<16xi32>
      %eq3A_263 = arith.cmpi eq, %iota3A, %eq3A_262 : vector<16xi32>
      %jit3A_264 = arith.constant 0 : i32
      %broadcast_in_dim3A_265 = vector.broadcast %jit3A_264 : i32 to vector<16xi32>
      %select_n3A_266 = arith.select %eq3A_263, %all_reduce_population_count3A_260, %broadcast_in_dim3A_265 : vector<16xi1>, vector<16xi32>
      %add3A_267 = arith.addi %add3A_256, %select_n3A_266 : vector<16xi32>
      %eq3A_268 = arith.constant 21 : i32
      %eq3A_269 = vector.broadcast %eq3A_268 : i32 to vector<16xi32>
      %eq3A_270 = arith.cmpi eq, %convert_element_type3A_40, %eq3A_269 : vector<16xi32>
      %all_reduce_population_count3A_271 = tpu.all_reduce %eq3A_270 {dim = 0 : i64, kind = #tpu.reduction_kind<sum>} : vector<16xi1> -> vector<16xi32>
      %eq3A_272 = arith.constant 5 : i32
      %eq3A_273 = vector.broadcast %eq3A_272 : i32 to vector<16xi32>
      %eq3A_274 = arith.cmpi eq, %iota3A, %eq3A_273 : vector<16xi32>
      %jit3A_275 = arith.constant 0 : i32
      %broadcast_in_dim3A_276 = vector.broadcast %jit3A_275 : i32 to vector<16xi32>
      %select_n3A_277 = arith.select %eq3A_274, %all_reduce_population_count3A_271, %broadcast_in_dim3A_276 : vector<16xi1>, vector<16xi32>
      %add3A_278 = arith.addi %add3A_267, %select_n3A_277 : vector<16xi32>
      %eq3A_279 = arith.constant 22 : i32
      %eq3A_280 = vector.broadcast %eq3A_279 : i32 to vector<16xi32>
      %eq3A_281 = arith.cmpi eq, %convert_element_type3A_40, %eq3A_280 : vector<16xi32>
      %all_reduce_population_count3A_282 = tpu.all_reduce %eq3A_281 {dim = 0 : i64, kind = #tpu.reduction_kind<sum>} : vector<16xi1> -> vector<16xi32>
      %eq3A_283 = arith.constant 6 : i32
      %eq3A_284 = vector.broadcast %eq3A_283 : i32 to vector<16xi32>
      %eq3A_285 = arith.cmpi eq, %iota3A, %eq3A_284 : vector<16xi32>
      %jit3A_286 = arith.constant 0 : i32
      %broadcast_in_dim3A_287 = vector.broadcast %jit3A_286 : i32 to vector<16xi32>
      %select_n3A_288 = arith.select %eq3A_285, %all_reduce_population_count3A_282, %broadcast_in_dim3A_287 : vector<16xi1>, vector<16xi32>
      %add3A_289 = arith.addi %add3A_278, %select_n3A_288 : vector<16xi32>
      %eq3A_290 = arith.constant 23 : i32
      %eq3A_291 = vector.broadcast %eq3A_290 : i32 to vector<16xi32>
      %eq3A_292 = arith.cmpi eq, %convert_element_type3A_40, %eq3A_291 : vector<16xi32>
      %all_reduce_population_count3A_293 = tpu.all_reduce %eq3A_292 {dim = 0 : i64, kind = #tpu.reduction_kind<sum>} : vector<16xi1> -> vector<16xi32>
      %eq3A_294 = arith.constant 7 : i32
      %eq3A_295 = vector.broadcast %eq3A_294 : i32 to vector<16xi32>
      %eq3A_296 = arith.cmpi eq, %iota3A, %eq3A_295 : vector<16xi32>
      %jit3A_297 = arith.constant 0 : i32
      %broadcast_in_dim3A_298 = vector.broadcast %jit3A_297 : i32 to vector<16xi32>
      %select_n3A_299 = arith.select %eq3A_296, %all_reduce_population_count3A_293, %broadcast_in_dim3A_298 : vector<16xi1>, vector<16xi32>
      %add3A_300 = arith.addi %add3A_289, %select_n3A_299 : vector<16xi32>
      %eq3A_301 = arith.constant 24 : i32
      %eq3A_302 = vector.broadcast %eq3A_301 : i32 to vector<16xi32>
      %eq3A_303 = arith.cmpi eq, %convert_element_type3A_40, %eq3A_302 : vector<16xi32>
      %all_reduce_population_count3A_304 = tpu.all_reduce %eq3A_303 {dim = 0 : i64, kind = #tpu.reduction_kind<sum>} : vector<16xi1> -> vector<16xi32>
      %eq3A_305 = arith.constant 8 : i32
      %eq3A_306 = vector.broadcast %eq3A_305 : i32 to vector<16xi32>
      %eq3A_307 = arith.cmpi eq, %iota3A, %eq3A_306 : vector<16xi32>
      %jit3A_308 = arith.constant 0 : i32
      %broadcast_in_dim3A_309 = vector.broadcast %jit3A_308 : i32 to vector<16xi32>
      %select_n3A_310 = arith.select %eq3A_307, %all_reduce_population_count3A_304, %broadcast_in_dim3A_309 : vector<16xi1>, vector<16xi32>
      %add3A_311 = arith.addi %add3A_300, %select_n3A_310 : vector<16xi32>
      %eq3A_312 = arith.constant 25 : i32
      %eq3A_313 = vector.broadcast %eq3A_312 : i32 to vector<16xi32>
      %eq3A_314 = arith.cmpi eq, %convert_element_type3A_40, %eq3A_313 : vector<16xi32>
      %all_reduce_population_count3A_315 = tpu.all_reduce %eq3A_314 {dim = 0 : i64, kind = #tpu.reduction_kind<sum>} : vector<16xi1> -> vector<16xi32>
      %eq3A_316 = arith.constant 9 : i32
      %eq3A_317 = vector.broadcast %eq3A_316 : i32 to vector<16xi32>
      %eq3A_318 = arith.cmpi eq, %iota3A, %eq3A_317 : vector<16xi32>
      %jit3A_319 = arith.constant 0 : i32
      %broadcast_in_dim3A_320 = vector.broadcast %jit3A_319 : i32 to vector<16xi32>
      %select_n3A_321 = arith.select %eq3A_318, %all_reduce_population_count3A_315, %broadcast_in_dim3A_320 : vector<16xi1>, vector<16xi32>
      %add3A_322 = arith.addi %add3A_311, %select_n3A_321 : vector<16xi32>
      %eq3A_323 = arith.constant 26 : i32
      %eq3A_324 = vector.broadcast %eq3A_323 : i32 to vector<16xi32>
      %eq3A_325 = arith.cmpi eq, %convert_element_type3A_40, %eq3A_324 : vector<16xi32>
      %all_reduce_population_count3A_326 = tpu.all_reduce %eq3A_325 {dim = 0 : i64, kind = #tpu.reduction_kind<sum>} : vector<16xi1> -> vector<16xi32>
      %eq3A_327 = arith.constant 10 : i32
      %eq3A_328 = vector.broadcast %eq3A_327 : i32 to vector<16xi32>
      %eq3A_329 = arith.cmpi eq, %iota3A, %eq3A_328 : vector<16xi32>
      %jit3A_330 = arith.constant 0 : i32
      %broadcast_in_dim3A_331 = vector.broadcast %jit3A_330 : i32 to vector<16xi32>
      %select_n3A_332 = arith.select %eq3A_329, %all_reduce_population_count3A_326, %broadcast_in_dim3A_331 : vector<16xi1>, vector<16xi32>
      %add3A_333 = arith.addi %add3A_322, %select_n3A_332 : vector<16xi32>
      %eq3A_334 = arith.constant 27 : i32
      %eq3A_335 = vector.broadcast %eq3A_334 : i32 to vector<16xi32>
      %eq3A_336 = arith.cmpi eq, %convert_element_type3A_40, %eq3A_335 : vector<16xi32>
      %all_reduce_population_count3A_337 = tpu.all_reduce %eq3A_336 {dim = 0 : i64, kind = #tpu.reduction_kind<sum>} : vector<16xi1> -> vector<16xi32>
      %eq3A_338 = arith.constant 11 : i32
      %eq3A_339 = vector.broadcast %eq3A_338 : i32 to vector<16xi32>
      %eq3A_340 = arith.cmpi eq, %iota3A, %eq3A_339 : vector<16xi32>
      %jit3A_341 = arith.constant 0 : i32
      %broadcast_in_dim3A_342 = vector.broadcast %jit3A_341 : i32 to vector<16xi32>
      %select_n3A_343 = arith.select %eq3A_340, %all_reduce_population_count3A_337, %broadcast_in_dim3A_342 : vector<16xi1>, vector<16xi32>
      %add3A_344 = arith.addi %add3A_333, %select_n3A_343 : vector<16xi32>
      scf.yield %add3A_212, %add3A_344 : vector<16xi32>, vector<16xi32>
    }
    %scan3A_10 = arith.constant 32 : i32
    %convert_element_type3A = arith.sitofp %scan3A_9#0 : vector<16xi32> to vector<16xf32>
    %swap3A = arith.constant 0 : index
    %swap3A_11 = tpu.vector_load %arg7[%swap3A] {strides = array<i32>} : memref<32xf32, #tpu.memory_space<vmem>>, vector<16xf32>,
    tpu.vector_store %arg7[%swap3A], %convert_element_type3A {strides = array<i32>} : memref<32xf32, #tpu.memory_space<vmem>>, vector<16xf32>,
    %convert_element_type3A_12 = arith.sitofp %scan3A_9#1 : vector<16xi32> to vector<16xf32>
    %swap3A_13 = arith.constant 16 : index
    %swap3A_14 = tpu.vector_load %arg7[%swap3A_13] {strides = array<i32>} : memref<32xf32, #tpu.memory_space<vmem>>, vector<16xf32>,
    tpu.vector_store %arg7[%swap3A_13], %convert_element_type3A_12 {strides = array<i32>} : memref<32xf32, #tpu.memory_space<vmem>>, vector<16xf32>,
    %mul3A_15 = arith.constant 32 : i32
    %mul3A_16 = arith.muli %add3A, %mul3A_15 : i32
    "tpu.region"() ({
      %run_scoped3A = tpu.sem_alloc : memref<!tpu.dma_semaphore, #tpu.memory_space<semaphore_mem>>
      %dma_start3A = tpu.memref_slice %arg4[%mul3A_16] : memref<1024xf32, #tpu.memory_space<hbm>> -> memref<32xf32, #tpu.memory_space<hbm>>
      %dma_start3A_17 = tpu.memref_slice %arg4[%mul3A_16] : memref<1024xf32, #tpu.memory_space<hbm>> -> memref<32xf32, #tpu.memory_space<hbm>>
      tpu.enqueue_dma source(%arg7 : memref<32xf32, #tpu.memory_space<vmem>>) target(%dma_start3A_17 : memref<32xf32, #tpu.memory_space<hbm>>) target_semaphore(%run_scoped3A : memref<!tpu.dma_semaphore, #tpu.memory_space<semaphore_mem>>)
      %dma_wait3A = tpu.memref_slice %arg4[%mul3A_16] : memref<1024xf32, #tpu.memory_space<hbm>> -> memref<32xf32, #tpu.memory_space<hbm>>
      %dma_wait3A_18 = tpu.memref_slice %arg4[%mul3A_16] : memref<1024xf32, #tpu.memory_space<hbm>> -> memref<32xf32, #tpu.memory_space<hbm>>
      tpu.wait_dma2 semaphore(%run_scoped3A : memref<!tpu.dma_semaphore, #tpu.memory_space<semaphore_mem>>) src(%arg7 : memref<32xf32, #tpu.memory_space<vmem>>) dst(%dma_wait3A_18 : memref<32xf32, #tpu.memory_space<hbm>>)
      tpu.yield
    }) : () -> ()
    return
  }
}

module attributes {stable_mosaic.version = 14 : i64} {
  func.func @_tc_body(%arg0: memref<128x128xf32, #tpu.memory_space<vmem>>, %arg1: memref<128x128xf32, #tpu.memory_space<vmem>>, %arg2: memref<8x128xf32, #tpu.memory_space<vmem>>, %arg3: memref<4x8xf32, #tpu.memory_space<vmem>>, %arg4: memref<7x8xf32, #tpu.memory_space<vmem>>, %arg5: memref<32x16xf32, #tpu.memory_space<vmem>>, %arg6: memref<1x32xf32, #tpu.memory_space<vmem>>, %arg7: memref<1x32xf32, #tpu.memory_space<vmem>>, %arg8: memref<1x32xf32, #tpu.memory_space<vmem>>, %arg9: memref<16x32xf32, #tpu.memory_space<vmem>>, %arg10: memref<1x16xf32, #tpu.memory_space<vmem>>, %arg11: memref<1x16xf32, #tpu.memory_space<vmem>>, %arg12: memref<1x16xf32, #tpu.memory_space<vmem>>, %arg13: memref<8x16xf32, #tpu.memory_space<vmem>>, %arg14: memref<1x8xf32, #tpu.memory_space<vmem>>, %arg15: memref<1x8xf32, #tpu.memory_space<vmem>>, %arg16: memref<1x8xf32, #tpu.memory_space<vmem>>, %arg17: memref<1x8xf32, #tpu.memory_space<vmem>>, %arg18: memref<1x1xf32, #tpu.memory_space<vmem>>, %arg19: memref<128x128xf32, #tpu.memory_space<vmem>>) attributes {dimension_semantics = [], scalar_prefetch = 0 : i64, scratch_operands = 0 : i64, tpu.core_type = #tpu.core_type<tc>} {
    %get3A = arith.constant 0 : index
    %get3A_0 = arith.constant 0 : index
    %get3A_1 = vector.load %arg2[%get3A, %get3A_0] : memref<8x128xf32, #tpu.memory_space<vmem>>, vector<8x128xf32>
    %slice3A = vector.extract_strided_slice %get3A_1 {offsets = [0, 0], sizes = [8, 32], strides = [1, 1]} : vector<8x128xf32> to vector<8x32xf32>
    %slice3A_2 = vector.extract_strided_slice %get3A_1 {offsets = [0, 32], sizes = [8, 32], strides = [1, 1]} : vector<8x128xf32> to vector<8x32xf32>
    %add3A = arith.addf %slice3A, %slice3A_2 : vector<8x32xf32>
    %slice3A_3 = vector.extract_strided_slice %get3A_1 {offsets = [0, 64], sizes = [8, 32], strides = [1, 1]} : vector<8x128xf32> to vector<8x32xf32>
    %add3A_4 = arith.addf %add3A, %slice3A_3 : vector<8x32xf32>
    %slice3A_5 = vector.extract_strided_slice %get3A_1 {offsets = [0, 96], sizes = [8, 32], strides = [1, 1]} : vector<8x128xf32> to vector<8x32xf32>
    %add3A_6 = arith.addf %add3A_4, %slice3A_5 : vector<8x32xf32>
    %reduce_sum3A = arith.constant dense<0.000000e+00> : vector<32xf32>
    %reduce_sum3A_7 = vector.multi_reduction <add>, %add3A_6, %reduce_sum3A [0] : vector<8x32xf32> to vector<32xf32>
    %broadcast_in_dim3A = vector.shape_cast %reduce_sum3A_7 : vector<32xf32> to vector<1x32xf32>
    %iota3A = tpu.iota {dimensions = array<i32: 0>} : vector<32x4xi32>
    %iota3A_8 = tpu.iota {dimensions = array<i32: 1>} : vector<32x4xi32>
    %jit3A = arith.constant 7 : i32
    %div3A = vector.broadcast %jit3A : i32 to vector<32x4xi32>
    %div3A_9 = arith.divsi %iota3A, %div3A : vector<32x4xi32>
    %sign3A = arith.constant 0 : i32
    %sign3A_10 = vector.broadcast %sign3A : i32 to vector<32x4xi32>
    %sign3A_11 = arith.cmpi sgt, %iota3A, %sign3A_10 : vector<32x4xi32>
    %sign3A_12 = arith.extui %sign3A_11 : vector<32x4xi1> to vector<32x4xi32>
    %sign3A_13 = arith.constant 0 : i32
    %sign3A_14 = vector.broadcast %sign3A_13 : i32 to vector<32x4xi32>
    %sign3A_15 = arith.cmpi slt, %iota3A, %sign3A_14 : vector<32x4xi32>
    %sign3A_16 = arith.extui %sign3A_15 : vector<32x4xi1> to vector<32x4xi32>
    %sign3A_17 = arith.subi %sign3A_12, %sign3A_16 : vector<32x4xi32>
    %sign3A_18 = arith.constant 0 : i32
    %sign3A_19 = arith.cmpi sgt, %jit3A, %sign3A_18 : i32
    %sign3A_20 = arith.extui %sign3A_19 : i1 to i32
    %sign3A_21 = arith.constant 0 : i32
    %sign3A_22 = arith.cmpi slt, %jit3A, %sign3A_21 : i32
    %sign3A_23 = arith.extui %sign3A_22 : i1 to i32
    %sign3A_24 = arith.subi %sign3A_20, %sign3A_23 : i32
    %ne3A = vector.broadcast %sign3A_24 : i32 to vector<32x4xi32>
    %ne3A_25 = arith.cmpi ne, %sign3A_17, %ne3A : vector<32x4xi32>
    %rem3A = vector.broadcast %jit3A : i32 to vector<32x4xi32>
    %rem3A_26 = arith.remsi %iota3A, %rem3A : vector<32x4xi32>
    %ne3A_27 = arith.constant 0 : i32
    %ne3A_28 = vector.broadcast %ne3A_27 : i32 to vector<32x4xi32>
    %ne3A_29 = arith.cmpi ne, %rem3A_26, %ne3A_28 : vector<32x4xi32>
    %and3A = arith.andi %ne3A_25, %ne3A_29 : vector<32x4xi1>
    %sub3A = arith.constant 1 : i32
    %sub3A_30 = vector.broadcast %sub3A : i32 to vector<32x4xi32>
    %sub3A_31 = arith.subi %div3A_9, %sub3A_30 : vector<32x4xi32>
    %select_n3A = arith.select %and3A, %sub3A_31, %div3A_9 : vector<32x4xi1>, vector<32x4xi32>
    %eq3A = arith.cmpi eq, %select_n3A, %iota3A_8 : vector<32x4xi32>
    %convert_element_type3A = arith.extui %eq3A : vector<32x4xi1> to vector<32x4xi32>
    %convert_element_type3A_32 = arith.sitofp %convert_element_type3A : vector<32x4xi32> to vector<32x4xf32>
    %iota3A_33 = tpu.iota {dimensions = array<i32: 0>} : vector<32x7xi32>
    %iota3A_34 = tpu.iota {dimensions = array<i32: 1>} : vector<32x7xi32>
    %jit3A_35 = arith.constant 7 : i32
    %eq3A_36 = arith.constant 0 : i32
    %eq3A_37 = arith.cmpi eq, %jit3A_35, %eq3A_36 : i32
    %jit3A_38 = arith.constant 1 : i32
    %select_n3A_39 = arith.select %eq3A_37, %jit3A_38, %jit3A_35 : i32
    %rem3A_40 = vector.broadcast %select_n3A_39 : i32 to vector<32x7xi32>
    %rem3A_41 = arith.remsi %iota3A_33, %rem3A_40 : vector<32x7xi32>
    %ne3A_42 = arith.constant 0 : i32
    %ne3A_43 = vector.broadcast %ne3A_42 : i32 to vector<32x7xi32>
    %ne3A_44 = arith.cmpi ne, %rem3A_41, %ne3A_43 : vector<32x7xi32>
    %lt3A = arith.constant 0 : i32
    %lt3A_45 = vector.broadcast %lt3A : i32 to vector<32x7xi32>
    %lt3A_46 = arith.cmpi slt, %rem3A_41, %lt3A_45 : vector<32x7xi32>
    %lt3A_47 = arith.constant 0 : i32
    %lt3A_48 = arith.cmpi slt, %select_n3A_39, %lt3A_47 : i32
    %ne3A_49 = vector.broadcast %lt3A_48 : i1 to vector<32x7xi1>
    %ne3A_50 = vector.broadcast %ne3A_49 : vector<32x7xi1> to vector<32x7xi1>
    %ne3A_51 = arith.xori %lt3A_46, %ne3A_50 : vector<32x7xi1>
    %and3A_52 = arith.andi %ne3A_51, %ne3A_44 : vector<32x7xi1>
    %add3A_53 = vector.broadcast %select_n3A_39 : i32 to vector<32x7xi32>
    %add3A_54 = arith.addi %rem3A_41, %add3A_53 : vector<32x7xi32>
    %select_n3A_55 = arith.select %and3A_52, %add3A_54, %rem3A_41 : vector<32x7xi1>, vector<32x7xi32>
    %eq3A_56 = arith.cmpi eq, %select_n3A_55, %iota3A_34 : vector<32x7xi32>
    %convert_element_type3A_57 = arith.extui %eq3A_56 : vector<32x7xi1> to vector<32x7xi32>
    %convert_element_type3A_58 = arith.sitofp %convert_element_type3A_57 : vector<32x7xi32> to vector<32x7xf32>
    %get3A_59 = arith.constant 0 : index
    %get3A_60 = arith.constant 0 : index
    %get3A_61 = vector.load %arg3[%get3A_59, %get3A_60] : memref<4x8xf32, #tpu.memory_space<vmem>>, vector<4x8xf32>
    %dot_general3A = arith.constant dense<0.000000e+00> : vector<32x8xf32>
    %dot_general3A_62 = tpu.matmul %convert_element_type3A_32, %get3A_61, %dot_general3A {dimension_numbers = #tpu.dot_dimension_numbers<[1], [0], [0], [1], [0, 0, 1, 1], [], []>, precision = #tpu.contract_precision<fp32>, transpose_lhs_hint = false} : vector<32x4xf32>, vector<4x8xf32>, vector<32x8xf32> -> vector<32x8xf32>
    %get3A_63 = arith.constant 0 : index
    %get3A_64 = arith.constant 0 : index
    %get3A_65 = vector.load %arg4[%get3A_63, %get3A_64] : memref<7x8xf32, #tpu.memory_space<vmem>>, vector<7x8xf32>
    %dot_general3A_66 = arith.constant dense<0.000000e+00> : vector<32x8xf32>
    %dot_general3A_67 = tpu.matmul %convert_element_type3A_58, %get3A_65, %dot_general3A_66 {dimension_numbers = #tpu.dot_dimension_numbers<[1], [0], [0], [1], [0, 0, 1, 1], [], []>, precision = #tpu.contract_precision<fp32>, transpose_lhs_hint = false} : vector<32x7xf32>, vector<7x8xf32>, vector<32x8xf32> -> vector<32x8xf32>
    %concatenate3A = tpu.concatenate %dot_general3A_62, %dot_general3A_67 in 1 : vector<32x8xf32>, vector<32x8xf32> -> vector<32x16xf32>
    %get3A_68 = arith.constant 0 : index
    %get3A_69 = arith.constant 0 : index
    %get3A_70 = vector.load %arg5[%get3A_68, %get3A_69] : memref<32x16xf32, #tpu.memory_space<vmem>>, vector<32x16xf32>
    %iota3A_71 = tpu.iota {dimensions = array<i32: 0>} : vector<32x32xi32>
    %iota3A_72 = tpu.iota {dimensions = array<i32: 1>} : vector<32x32xi32>
    %eq3A_73 = arith.cmpi eq, %iota3A_71, %iota3A_72 : vector<32x32xi32>
    %convert_element_type3A_74 = arith.extui %eq3A_73 : vector<32x32xi1> to vector<32x32xi32>
    %convert_element_type3A_75 = arith.sitofp %convert_element_type3A_74 : vector<32x32xi32> to vector<32x32xf32>
    %dot_general3A_76 = arith.constant dense<0.000000e+00> : vector<16x32xf32>
    %dot_general3A_77 = tpu.matmul %get3A_70, %convert_element_type3A_75, %dot_general3A_76 {dimension_numbers = #tpu.dot_dimension_numbers<[0], [0], [1], [1], [0, 1, 1, 1], [], []>, precision = #tpu.contract_precision<fp32>, transpose_lhs_hint = false} : vector<32x16xf32>, vector<32x32xf32>, vector<16x32xf32> -> vector<16x32xf32>
    %get3A_78 = arith.constant 0 : index
    %get3A_79 = arith.constant 0 : index
    %get3A_80 = vector.load %arg9[%get3A_78, %get3A_79] : memref<16x32xf32, #tpu.memory_space<vmem>>, vector<16x32xf32>
    %iota3A_81 = tpu.iota {dimensions = array<i32: 0>} : vector<16x16xi32>
    %iota3A_82 = tpu.iota {dimensions = array<i32: 1>} : vector<16x16xi32>
    %eq3A_83 = arith.cmpi eq, %iota3A_81, %iota3A_82 : vector<16x16xi32>
    %convert_element_type3A_84 = arith.extui %eq3A_83 : vector<16x16xi1> to vector<16x16xi32>
    %convert_element_type3A_85 = arith.sitofp %convert_element_type3A_84 : vector<16x16xi32> to vector<16x16xf32>
    %dot_general3A_86 = arith.constant dense<0.000000e+00> : vector<32x16xf32>
    %dot_general3A_87 = tpu.matmul %get3A_80, %convert_element_type3A_85, %dot_general3A_86 {dimension_numbers = #tpu.dot_dimension_numbers<[0], [0], [1], [1], [0, 1, 1, 1], [], []>, precision = #tpu.contract_precision<fp32>, transpose_lhs_hint = false} : vector<16x32xf32>, vector<16x16xf32>, vector<32x16xf32> -> vector<32x16xf32>
    %get3A_88 = arith.constant 0 : index
    %get3A_89 = arith.constant 0 : index
    %get3A_90 = vector.load %arg13[%get3A_88, %get3A_89] : memref<8x16xf32, #tpu.memory_space<vmem>>, vector<8x16xf32>
    %iota3A_91 = tpu.iota {dimensions = array<i32: 0>} : vector<8x8xi32>
    %iota3A_92 = tpu.iota {dimensions = array<i32: 1>} : vector<8x8xi32>
    %eq3A_93 = arith.cmpi eq, %iota3A_91, %iota3A_92 : vector<8x8xi32>
    %convert_element_type3A_94 = arith.extui %eq3A_93 : vector<8x8xi1> to vector<8x8xi32>
    %convert_element_type3A_95 = arith.sitofp %convert_element_type3A_94 : vector<8x8xi32> to vector<8x8xf32>
    %dot_general3A_96 = arith.constant dense<0.000000e+00> : vector<16x8xf32>
    %dot_general3A_97 = tpu.matmul %get3A_90, %convert_element_type3A_95, %dot_general3A_96 {dimension_numbers = #tpu.dot_dimension_numbers<[0], [0], [1], [1], [0, 1, 1, 1], [], []>, precision = #tpu.contract_precision<fp32>, transpose_lhs_hint = false} : vector<8x16xf32>, vector<8x8xf32>, vector<16x8xf32> -> vector<16x8xf32>
    %get3A_98 = arith.constant 0 : index
    %get3A_99 = arith.constant 0 : index
    %get3A_100 = vector.load %arg17[%get3A_98, %get3A_99] : memref<1x8xf32, #tpu.memory_space<vmem>>, vector<1x8xf32>
    %broadcast_in_dim3A_101 = arith.constant 1.000000e+00 : f32
    %broadcast_in_dim3A_102 = vector.broadcast %broadcast_in_dim3A_101 : f32 to vector<1x1xf32>
    %dot_general3A_103 = arith.constant dense<0.000000e+00> : vector<8x1xf32>
    %dot_general3A_104 = tpu.matmul %get3A_100, %broadcast_in_dim3A_102, %dot_general3A_103 {dimension_numbers = #tpu.dot_dimension_numbers<[0], [0], [1], [1], [0, 1, 1, 1], [], []>, precision = #tpu.contract_precision<fp32>, transpose_lhs_hint = false} : vector<1x8xf32>, vector<1x1xf32>, vector<8x1xf32> -> vector<8x1xf32>
    %dot_general3A_105 = arith.constant dense<0.000000e+00> : vector<32x32xf32>
    %dot_general3A_106 = tpu.matmul %concatenate3A, %dot_general3A_77, %dot_general3A_105 {dimension_numbers = #tpu.dot_dimension_numbers<[1], [0], [0], [1], [0, 0, 1, 1], [], []>, transpose_lhs_hint = false} : vector<32x16xf32>, vector<16x32xf32>, vector<32x32xf32> -> vector<32x32xf32>
    %get3A_107 = arith.constant 0 : index
    %get3A_108 = arith.constant 0 : index
    %get3A_109 = vector.load %arg6[%get3A_107, %get3A_108] : memref<1x32xf32, #tpu.memory_space<vmem>>, vector<1x32xf32>
    %add3A_110 = vector.broadcast %get3A_109 : vector<1x32xf32> to vector<32x32xf32>
    %add3A_111 = arith.addf %dot_general3A_106, %add3A_110 : vector<32x32xf32>
    %dot_general3A_112 = arith.constant dense<0.000000e+00> : vector<1x32xf32>
    %dot_general3A_113 = tpu.matmul %broadcast_in_dim3A, %add3A_111, %dot_general3A_112 {dimension_numbers = #tpu.dot_dimension_numbers<[1], [0], [0], [1], [0, 0, 1, 1], [], []>, precision = #tpu.contract_precision<fp32>, transpose_lhs_hint = false} : vector<1x32xf32>, vector<32x32xf32>, vector<1x32xf32> -> vector<1x32xf32>
    %mul3A = arith.constant 6.10351563E-5 : f32
    %mul3A_114 = vector.broadcast %mul3A : f32 to vector<1x32xf32>
    %mul3A_115 = arith.mulf %dot_general3A_113, %mul3A_114 : vector<1x32xf32>
    %sub3A_116 = vector.broadcast %mul3A_115 : vector<1x32xf32> to vector<32x32xf32>
    %sub3A_117 = arith.subf %add3A_111, %sub3A_116 : vector<32x32xf32>
    %mul3A_118 = arith.mulf %sub3A_117, %sub3A_117 : vector<32x32xf32>
    %dot_general3A_119 = arith.constant dense<0.000000e+00> : vector<1x32xf32>
    %dot_general3A_120 = tpu.matmul %broadcast_in_dim3A, %mul3A_118, %dot_general3A_119 {dimension_numbers = #tpu.dot_dimension_numbers<[1], [0], [0], [1], [0, 0, 1, 1], [], []>, precision = #tpu.contract_precision<fp32>, transpose_lhs_hint = false} : vector<1x32xf32>, vector<32x32xf32>, vector<1x32xf32> -> vector<1x32xf32>
    %mul3A_121 = arith.constant 6.10351563E-5 : f32
    %mul3A_122 = vector.broadcast %mul3A_121 : f32 to vector<1x32xf32>
    %mul3A_123 = arith.mulf %dot_general3A_120, %mul3A_122 : vector<1x32xf32>
    %get3A_124 = arith.constant 0 : index
    %get3A_125 = arith.constant 0 : index
    %get3A_126 = vector.load %arg7[%get3A_124, %get3A_125] : memref<1x32xf32, #tpu.memory_space<vmem>>, vector<1x32xf32>
    %mul3A_127 = vector.broadcast %get3A_126 : vector<1x32xf32> to vector<32x32xf32>
    %mul3A_128 = arith.mulf %mul3A_127, %sub3A_117 : vector<32x32xf32>
    %add3A_129 = arith.constant 9.99999974E-6 : f32
    %add3A_130 = vector.broadcast %add3A_129 : f32 to vector<1x32xf32>
    %add3A_131 = arith.addf %mul3A_123, %add3A_130 : vector<1x32xf32>
    %sqrt3A = math.sqrt %add3A_131 : vector<1x32xf32>
    %div3A_132 = vector.broadcast %sqrt3A : vector<1x32xf32> to vector<32x32xf32>
    %div3A_133 = arith.divf %mul3A_128, %div3A_132 : vector<32x32xf32>
    %get3A_134 = arith.constant 0 : index
    %get3A_135 = arith.constant 0 : index
    %get3A_136 = vector.load %arg8[%get3A_134, %get3A_135] : memref<1x32xf32, #tpu.memory_space<vmem>>, vector<1x32xf32>
    %add3A_137 = vector.broadcast %get3A_136 : vector<1x32xf32> to vector<32x32xf32>
    %add3A_138 = arith.addf %div3A_133, %add3A_137 : vector<32x32xf32>
    %max3A = arith.constant 0.000000e+00 : f32
    %max3A_139 = vector.broadcast %max3A : f32 to vector<32x32xf32>
    %max3A_140 = arith.maximumf %add3A_138, %max3A_139 : vector<32x32xf32>
    %dot_general3A_141 = arith.constant dense<0.000000e+00> : vector<32x16xf32>
    %dot_general3A_142 = tpu.matmul %max3A_140, %dot_general3A_87, %dot_general3A_141 {dimension_numbers = #tpu.dot_dimension_numbers<[1], [0], [0], [1], [0, 0, 1, 1], [], []>, transpose_lhs_hint = false} : vector<32x32xf32>, vector<32x16xf32>, vector<32x16xf32> -> vector<32x16xf32>
    %get3A_143 = arith.constant 0 : index
    %get3A_144 = arith.constant 0 : index
    %get3A_145 = vector.load %arg10[%get3A_143, %get3A_144] : memref<1x16xf32, #tpu.memory_space<vmem>>, vector<1x16xf32>
    %add3A_146 = vector.broadcast %get3A_145 : vector<1x16xf32> to vector<32x16xf32>
    %add3A_147 = arith.addf %dot_general3A_142, %add3A_146 : vector<32x16xf32>
    %dot_general3A_148 = arith.constant dense<0.000000e+00> : vector<1x16xf32>
    %dot_general3A_149 = tpu.matmul %broadcast_in_dim3A, %add3A_147, %dot_general3A_148 {dimension_numbers = #tpu.dot_dimension_numbers<[1], [0], [0], [1], [0, 0, 1, 1], [], []>, precision = #tpu.contract_precision<fp32>, transpose_lhs_hint = false} : vector<1x32xf32>, vector<32x16xf32>, vector<1x16xf32> -> vector<1x16xf32>
    %mul3A_150 = arith.constant 6.10351563E-5 : f32
    %mul3A_151 = vector.broadcast %mul3A_150 : f32 to vector<1x16xf32>
    %mul3A_152 = arith.mulf %dot_general3A_149, %mul3A_151 : vector<1x16xf32>
    %sub3A_153 = vector.broadcast %mul3A_152 : vector<1x16xf32> to vector<32x16xf32>
    %sub3A_154 = arith.subf %add3A_147, %sub3A_153 : vector<32x16xf32>
    %mul3A_155 = arith.mulf %sub3A_154, %sub3A_154 : vector<32x16xf32>
    %dot_general3A_156 = arith.constant dense<0.000000e+00> : vector<1x16xf32>
    %dot_general3A_157 = tpu.matmul %broadcast_in_dim3A, %mul3A_155, %dot_general3A_156 {dimension_numbers = #tpu.dot_dimension_numbers<[1], [0], [0], [1], [0, 0, 1, 1], [], []>, precision = #tpu.contract_precision<fp32>, transpose_lhs_hint = false} : vector<1x32xf32>, vector<32x16xf32>, vector<1x16xf32> -> vector<1x16xf32>
    %mul3A_158 = arith.constant 6.10351563E-5 : f32
    %mul3A_159 = vector.broadcast %mul3A_158 : f32 to vector<1x16xf32>
    %mul3A_160 = arith.mulf %dot_general3A_157, %mul3A_159 : vector<1x16xf32>
    %get3A_161 = arith.constant 0 : index
    %get3A_162 = arith.constant 0 : index
    %get3A_163 = vector.load %arg11[%get3A_161, %get3A_162] : memref<1x16xf32, #tpu.memory_space<vmem>>, vector<1x16xf32>
    %mul3A_164 = vector.broadcast %get3A_163 : vector<1x16xf32> to vector<32x16xf32>
    %mul3A_165 = arith.mulf %mul3A_164, %sub3A_154 : vector<32x16xf32>
    %add3A_166 = arith.constant 9.99999974E-6 : f32
    %add3A_167 = vector.broadcast %add3A_166 : f32 to vector<1x16xf32>
    %add3A_168 = arith.addf %mul3A_160, %add3A_167 : vector<1x16xf32>
    %sqrt3A_169 = math.sqrt %add3A_168 : vector<1x16xf32>
    %div3A_170 = vector.broadcast %sqrt3A_169 : vector<1x16xf32> to vector<32x16xf32>
    %div3A_171 = arith.divf %mul3A_165, %div3A_170 : vector<32x16xf32>
    %get3A_172 = arith.constant 0 : index
    %get3A_173 = arith.constant 0 : index
    %get3A_174 = vector.load %arg12[%get3A_172, %get3A_173] : memref<1x16xf32, #tpu.memory_space<vmem>>, vector<1x16xf32>
    %add3A_175 = vector.broadcast %get3A_174 : vector<1x16xf32> to vector<32x16xf32>
    %add3A_176 = arith.addf %div3A_171, %add3A_175 : vector<32x16xf32>
    %max3A_177 = arith.constant 0.000000e+00 : f32
    %max3A_178 = vector.broadcast %max3A_177 : f32 to vector<32x16xf32>
    %max3A_179 = arith.maximumf %add3A_176, %max3A_178 : vector<32x16xf32>
    %dot_general3A_180 = arith.constant dense<0.000000e+00> : vector<32x8xf32>
    %dot_general3A_181 = tpu.matmul %max3A_179, %dot_general3A_97, %dot_general3A_180 {dimension_numbers = #tpu.dot_dimension_numbers<[1], [0], [0], [1], [0, 0, 1, 1], [], []>, transpose_lhs_hint = false} : vector<32x16xf32>, vector<16x8xf32>, vector<32x8xf32> -> vector<32x8xf32>
    %get3A_182 = arith.constant 0 : index
    %get3A_183 = arith.constant 0 : index
    %get3A_184 = vector.load %arg14[%get3A_182, %get3A_183] : memref<1x8xf32, #tpu.memory_space<vmem>>, vector<1x8xf32>
    %add3A_185 = vector.broadcast %get3A_184 : vector<1x8xf32> to vector<32x8xf32>
    %add3A_186 = arith.addf %dot_general3A_181, %add3A_185 : vector<32x8xf32>
    %dot_general3A_187 = arith.constant dense<0.000000e+00> : vector<1x8xf32>
    %dot_general3A_188 = tpu.matmul %broadcast_in_dim3A, %add3A_186, %dot_general3A_187 {dimension_numbers = #tpu.dot_dimension_numbers<[1], [0], [0], [1], [0, 0, 1, 1], [], []>, precision = #tpu.contract_precision<fp32>, transpose_lhs_hint = false} : vector<1x32xf32>, vector<32x8xf32>, vector<1x8xf32> -> vector<1x8xf32>
    %mul3A_189 = arith.constant 6.10351563E-5 : f32
    %mul3A_190 = vector.broadcast %mul3A_189 : f32 to vector<1x8xf32>
    %mul3A_191 = arith.mulf %dot_general3A_188, %mul3A_190 : vector<1x8xf32>
    %sub3A_192 = vector.broadcast %mul3A_191 : vector<1x8xf32> to vector<32x8xf32>
    %sub3A_193 = arith.subf %add3A_186, %sub3A_192 : vector<32x8xf32>
    %mul3A_194 = arith.mulf %sub3A_193, %sub3A_193 : vector<32x8xf32>
    %dot_general3A_195 = arith.constant dense<0.000000e+00> : vector<1x8xf32>
    %dot_general3A_196 = tpu.matmul %broadcast_in_dim3A, %mul3A_194, %dot_general3A_195 {dimension_numbers = #tpu.dot_dimension_numbers<[1], [0], [0], [1], [0, 0, 1, 1], [], []>, precision = #tpu.contract_precision<fp32>, transpose_lhs_hint = false} : vector<1x32xf32>, vector<32x8xf32>, vector<1x8xf32> -> vector<1x8xf32>
    %mul3A_197 = arith.constant 6.10351563E-5 : f32
    %mul3A_198 = vector.broadcast %mul3A_197 : f32 to vector<1x8xf32>
    %mul3A_199 = arith.mulf %dot_general3A_196, %mul3A_198 : vector<1x8xf32>
    %get3A_200 = arith.constant 0 : index
    %get3A_201 = arith.constant 0 : index
    %get3A_202 = vector.load %arg15[%get3A_200, %get3A_201] : memref<1x8xf32, #tpu.memory_space<vmem>>, vector<1x8xf32>
    %mul3A_203 = vector.broadcast %get3A_202 : vector<1x8xf32> to vector<32x8xf32>
    %mul3A_204 = arith.mulf %mul3A_203, %sub3A_193 : vector<32x8xf32>
    %add3A_205 = arith.constant 9.99999974E-6 : f32
    %add3A_206 = vector.broadcast %add3A_205 : f32 to vector<1x8xf32>
    %add3A_207 = arith.addf %mul3A_199, %add3A_206 : vector<1x8xf32>
    %sqrt3A_208 = math.sqrt %add3A_207 : vector<1x8xf32>
    %div3A_209 = vector.broadcast %sqrt3A_208 : vector<1x8xf32> to vector<32x8xf32>
    %div3A_210 = arith.divf %mul3A_204, %div3A_209 : vector<32x8xf32>
    %get3A_211 = arith.constant 0 : index
    %get3A_212 = arith.constant 0 : index
    %get3A_213 = vector.load %arg16[%get3A_211, %get3A_212] : memref<1x8xf32, #tpu.memory_space<vmem>>, vector<1x8xf32>
    %add3A_214 = vector.broadcast %get3A_213 : vector<1x8xf32> to vector<32x8xf32>
    %add3A_215 = arith.addf %div3A_210, %add3A_214 : vector<32x8xf32>
    %max3A_216 = arith.constant 0.000000e+00 : f32
    %max3A_217 = vector.broadcast %max3A_216 : f32 to vector<32x8xf32>
    %max3A_218 = arith.maximumf %add3A_215, %max3A_217 : vector<32x8xf32>
    %dot_general3A_219 = arith.constant dense<0.000000e+00> : vector<32x1xf32>
    %dot_general3A_220 = tpu.matmul %max3A_218, %dot_general3A_104, %dot_general3A_219 {dimension_numbers = #tpu.dot_dimension_numbers<[1], [0], [0], [1], [0, 0, 1, 1], [], []>, transpose_lhs_hint = false} : vector<32x8xf32>, vector<8x1xf32>, vector<32x1xf32> -> vector<32x1xf32>
    %get3A_221 = arith.constant 0 : index
    %get3A_222 = arith.constant 0 : index
    %get3A_223 = vector.load %arg18[%get3A_221, %get3A_222] : memref<1x1xf32, #tpu.memory_space<vmem>>, vector<1x1xf32>
    %add3A_224 = vector.broadcast %get3A_223 : vector<1x1xf32> to vector<32x1xf32>
    %add3A_225 = arith.addf %dot_general3A_220, %add3A_224 : vector<32x1xf32>
    %get3A_226 = arith.constant 0 : index
    %get3A_227 = arith.constant 0 : index
    %get3A_228 = vector.load %arg0[%get3A_226, %get3A_227] : memref<128x128xf32, #tpu.memory_space<vmem>>, vector<128x128xf32>
    %jit3A_229 = arith.constant 0.000000e+00 : f32
    %jit3A_230 = arith.constant 3.000000e+00 : f32
    %max3A_231 = vector.broadcast %jit3A_229 : f32 to vector<128x128xf32>
    %max3A_232 = arith.maximumf %max3A_231, %get3A_228 : vector<128x128xf32>
    %min3A = vector.broadcast %jit3A_230 : f32 to vector<128x128xf32>
    %min3A_233 = arith.minimumf %min3A, %max3A_232 : vector<128x128xf32>
    %get3A_234 = arith.constant 0 : index
    %get3A_235 = arith.constant 0 : index
    %get3A_236 = vector.load %arg1[%get3A_234, %get3A_235] : memref<128x128xf32, #tpu.memory_space<vmem>>, vector<128x128xf32>
    %jit3A_237 = arith.constant 0.000000e+00 : f32
    %jit3A_238 = arith.constant 6.000000e+00 : f32
    %max3A_239 = vector.broadcast %jit3A_237 : f32 to vector<128x128xf32>
    %max3A_240 = arith.maximumf %max3A_239, %get3A_236 : vector<128x128xf32>
    %min3A_241 = vector.broadcast %jit3A_238 : f32 to vector<128x128xf32>
    %min3A_242 = arith.minimumf %min3A_241, %max3A_240 : vector<128x128xf32>
    %mul3A_243 = arith.constant 7.000000e+00 : f32
    %mul3A_244 = vector.broadcast %mul3A_243 : f32 to vector<128x128xf32>
    %mul3A_245 = arith.mulf %min3A_233, %mul3A_244 : vector<128x128xf32>
    %add3A_246 = arith.addf %mul3A_245, %min3A_242 : vector<128x128xf32>
    %convert_element_type3A_247 = arith.fptosi %add3A_246 : vector<128x128xf32> to vector<128x128xi32>
    %broadcast_in_dim3A_248 = arith.constant 0.000000e+00 : f32
    %broadcast_in_dim3A_249 = vector.broadcast %broadcast_in_dim3A_248 : f32 to vector<128x128xf32>
    %eq3A_250 = arith.constant 0 : i32
    %eq3A_251 = vector.broadcast %eq3A_250 : i32 to vector<128x128xi32>
    %eq3A_252 = arith.cmpi eq, %convert_element_type3A_247, %eq3A_251 : vector<128x128xi32>
    %slice3A_253 = vector.extract_strided_slice %add3A_225 {offsets = [0, 0], sizes = [1, 1], strides = [1, 1]} : vector<32x1xf32> to vector<1x1xf32>
    %squeeze3A = vector.extract %slice3A_253[0, 0] : f32 from vector<1x1xf32>
    %jit3A_254 = arith.constant 0.000000e+00 : f32
    %broadcast_in_dim3A_255 = vector.broadcast %squeeze3A : f32 to vector<128x128xf32>
    %broadcast_in_dim3A_256 = vector.broadcast %jit3A_254 : f32 to vector<128x128xf32>
    %select_n3A_257 = arith.select %eq3A_252, %broadcast_in_dim3A_255, %broadcast_in_dim3A_256 : vector<128x128xi1>, vector<128x128xf32>
    %add3A_258 = arith.addf %broadcast_in_dim3A_249, %select_n3A_257 : vector<128x128xf32>
    %eq3A_259 = arith.constant 1 : i32
    %eq3A_260 = vector.broadcast %eq3A_259 : i32 to vector<128x128xi32>
    %eq3A_261 = arith.cmpi eq, %convert_element_type3A_247, %eq3A_260 : vector<128x128xi32>
    %slice3A_262 = vector.extract_strided_slice %add3A_225 {offsets = [1, 0], sizes = [1, 1], strides = [1, 1]} : vector<32x1xf32> to vector<1x1xf32>
    %squeeze3A_263 = vector.extract %slice3A_262[0, 0] : f32 from vector<1x1xf32>
    %jit3A_264 = arith.constant 0.000000e+00 : f32
    %broadcast_in_dim3A_265 = vector.broadcast %squeeze3A_263 : f32 to vector<128x128xf32>
    %broadcast_in_dim3A_266 = vector.broadcast %jit3A_264 : f32 to vector<128x128xf32>
    %select_n3A_267 = arith.select %eq3A_261, %broadcast_in_dim3A_265, %broadcast_in_dim3A_266 : vector<128x128xi1>, vector<128x128xf32>
    %add3A_268 = arith.addf %add3A_258, %select_n3A_267 : vector<128x128xf32>
    %eq3A_269 = arith.constant 2 : i32
    %eq3A_270 = vector.broadcast %eq3A_269 : i32 to vector<128x128xi32>
    %eq3A_271 = arith.cmpi eq, %convert_element_type3A_247, %eq3A_270 : vector<128x128xi32>
    %slice3A_272 = vector.extract_strided_slice %add3A_225 {offsets = [2, 0], sizes = [1, 1], strides = [1, 1]} : vector<32x1xf32> to vector<1x1xf32>
    %squeeze3A_273 = vector.extract %slice3A_272[0, 0] : f32 from vector<1x1xf32>
    %jit3A_274 = arith.constant 0.000000e+00 : f32
    %broadcast_in_dim3A_275 = vector.broadcast %squeeze3A_273 : f32 to vector<128x128xf32>
    %broadcast_in_dim3A_276 = vector.broadcast %jit3A_274 : f32 to vector<128x128xf32>
    %select_n3A_277 = arith.select %eq3A_271, %broadcast_in_dim3A_275, %broadcast_in_dim3A_276 : vector<128x128xi1>, vector<128x128xf32>
    %add3A_278 = arith.addf %add3A_268, %select_n3A_277 : vector<128x128xf32>
    %eq3A_279 = arith.constant 3 : i32
    %eq3A_280 = vector.broadcast %eq3A_279 : i32 to vector<128x128xi32>
    %eq3A_281 = arith.cmpi eq, %convert_element_type3A_247, %eq3A_280 : vector<128x128xi32>
    %slice3A_282 = vector.extract_strided_slice %add3A_225 {offsets = [3, 0], sizes = [1, 1], strides = [1, 1]} : vector<32x1xf32> to vector<1x1xf32>
    %squeeze3A_283 = vector.extract %slice3A_282[0, 0] : f32 from vector<1x1xf32>
    %jit3A_284 = arith.constant 0.000000e+00 : f32
    %broadcast_in_dim3A_285 = vector.broadcast %squeeze3A_283 : f32 to vector<128x128xf32>
    %broadcast_in_dim3A_286 = vector.broadcast %jit3A_284 : f32 to vector<128x128xf32>
    %select_n3A_287 = arith.select %eq3A_281, %broadcast_in_dim3A_285, %broadcast_in_dim3A_286 : vector<128x128xi1>, vector<128x128xf32>
    %add3A_288 = arith.addf %add3A_278, %select_n3A_287 : vector<128x128xf32>
    %eq3A_289 = arith.constant 4 : i32
    %eq3A_290 = vector.broadcast %eq3A_289 : i32 to vector<128x128xi32>
    %eq3A_291 = arith.cmpi eq, %convert_element_type3A_247, %eq3A_290 : vector<128x128xi32>
    %slice3A_292 = vector.extract_strided_slice %add3A_225 {offsets = [4, 0], sizes = [1, 1], strides = [1, 1]} : vector<32x1xf32> to vector<1x1xf32>
    %squeeze3A_293 = vector.extract %slice3A_292[0, 0] : f32 from vector<1x1xf32>
    %jit3A_294 = arith.constant 0.000000e+00 : f32
    %broadcast_in_dim3A_295 = vector.broadcast %squeeze3A_293 : f32 to vector<128x128xf32>
    %broadcast_in_dim3A_296 = vector.broadcast %jit3A_294 : f32 to vector<128x128xf32>
    %select_n3A_297 = arith.select %eq3A_291, %broadcast_in_dim3A_295, %broadcast_in_dim3A_296 : vector<128x128xi1>, vector<128x128xf32>
    %add3A_298 = arith.addf %add3A_288, %select_n3A_297 : vector<128x128xf32>
    %eq3A_299 = arith.constant 5 : i32
    %eq3A_300 = vector.broadcast %eq3A_299 : i32 to vector<128x128xi32>
    %eq3A_301 = arith.cmpi eq, %convert_element_type3A_247, %eq3A_300 : vector<128x128xi32>
    %slice3A_302 = vector.extract_strided_slice %add3A_225 {offsets = [5, 0], sizes = [1, 1], strides = [1, 1]} : vector<32x1xf32> to vector<1x1xf32>
    %squeeze3A_303 = vector.extract %slice3A_302[0, 0] : f32 from vector<1x1xf32>
    %jit3A_304 = arith.constant 0.000000e+00 : f32
    %broadcast_in_dim3A_305 = vector.broadcast %squeeze3A_303 : f32 to vector<128x128xf32>
    %broadcast_in_dim3A_306 = vector.broadcast %jit3A_304 : f32 to vector<128x128xf32>
    %select_n3A_307 = arith.select %eq3A_301, %broadcast_in_dim3A_305, %broadcast_in_dim3A_306 : vector<128x128xi1>, vector<128x128xf32>
    %add3A_308 = arith.addf %add3A_298, %select_n3A_307 : vector<128x128xf32>
    %eq3A_309 = arith.constant 6 : i32
    %eq3A_310 = vector.broadcast %eq3A_309 : i32 to vector<128x128xi32>
    %eq3A_311 = arith.cmpi eq, %convert_element_type3A_247, %eq3A_310 : vector<128x128xi32>
    %slice3A_312 = vector.extract_strided_slice %add3A_225 {offsets = [6, 0], sizes = [1, 1], strides = [1, 1]} : vector<32x1xf32> to vector<1x1xf32>
    %squeeze3A_313 = vector.extract %slice3A_312[0, 0] : f32 from vector<1x1xf32>
    %jit3A_314 = arith.constant 0.000000e+00 : f32
    %broadcast_in_dim3A_315 = vector.broadcast %squeeze3A_313 : f32 to vector<128x128xf32>
    %broadcast_in_dim3A_316 = vector.broadcast %jit3A_314 : f32 to vector<128x128xf32>
    %select_n3A_317 = arith.select %eq3A_311, %broadcast_in_dim3A_315, %broadcast_in_dim3A_316 : vector<128x128xi1>, vector<128x128xf32>
    %add3A_318 = arith.addf %add3A_308, %select_n3A_317 : vector<128x128xf32>
    %eq3A_319 = arith.constant 7 : i32
    %eq3A_320 = vector.broadcast %eq3A_319 : i32 to vector<128x128xi32>
    %eq3A_321 = arith.cmpi eq, %convert_element_type3A_247, %eq3A_320 : vector<128x128xi32>
    %slice3A_322 = vector.extract_strided_slice %add3A_225 {offsets = [7, 0], sizes = [1, 1], strides = [1, 1]} : vector<32x1xf32> to vector<1x1xf32>
    %squeeze3A_323 = vector.extract %slice3A_322[0, 0] : f32 from vector<1x1xf32>
    %jit3A_324 = arith.constant 0.000000e+00 : f32
    %broadcast_in_dim3A_325 = vector.broadcast %squeeze3A_323 : f32 to vector<128x128xf32>
    %broadcast_in_dim3A_326 = vector.broadcast %jit3A_324 : f32 to vector<128x128xf32>
    %select_n3A_327 = arith.select %eq3A_321, %broadcast_in_dim3A_325, %broadcast_in_dim3A_326 : vector<128x128xi1>, vector<128x128xf32>
    %add3A_328 = arith.addf %add3A_318, %select_n3A_327 : vector<128x128xf32>
    %eq3A_329 = arith.constant 8 : i32
    %eq3A_330 = vector.broadcast %eq3A_329 : i32 to vector<128x128xi32>
    %eq3A_331 = arith.cmpi eq, %convert_element_type3A_247, %eq3A_330 : vector<128x128xi32>
    %slice3A_332 = vector.extract_strided_slice %add3A_225 {offsets = [8, 0], sizes = [1, 1], strides = [1, 1]} : vector<32x1xf32> to vector<1x1xf32>
    %squeeze3A_333 = vector.extract %slice3A_332[0, 0] : f32 from vector<1x1xf32>
    %jit3A_334 = arith.constant 0.000000e+00 : f32
    %broadcast_in_dim3A_335 = vector.broadcast %squeeze3A_333 : f32 to vector<128x128xf32>
    %broadcast_in_dim3A_336 = vector.broadcast %jit3A_334 : f32 to vector<128x128xf32>
    %select_n3A_337 = arith.select %eq3A_331, %broadcast_in_dim3A_335, %broadcast_in_dim3A_336 : vector<128x128xi1>, vector<128x128xf32>
    %add3A_338 = arith.addf %add3A_328, %select_n3A_337 : vector<128x128xf32>
    %eq3A_339 = arith.constant 9 : i32
    %eq3A_340 = vector.broadcast %eq3A_339 : i32 to vector<128x128xi32>
    %eq3A_341 = arith.cmpi eq, %convert_element_type3A_247, %eq3A_340 : vector<128x128xi32>
    %slice3A_342 = vector.extract_strided_slice %add3A_225 {offsets = [9, 0], sizes = [1, 1], strides = [1, 1]} : vector<32x1xf32> to vector<1x1xf32>
    %squeeze3A_343 = vector.extract %slice3A_342[0, 0] : f32 from vector<1x1xf32>
    %jit3A_344 = arith.constant 0.000000e+00 : f32
    %broadcast_in_dim3A_345 = vector.broadcast %squeeze3A_343 : f32 to vector<128x128xf32>
    %broadcast_in_dim3A_346 = vector.broadcast %jit3A_344 : f32 to vector<128x128xf32>
    %select_n3A_347 = arith.select %eq3A_341, %broadcast_in_dim3A_345, %broadcast_in_dim3A_346 : vector<128x128xi1>, vector<128x128xf32>
    %add3A_348 = arith.addf %add3A_338, %select_n3A_347 : vector<128x128xf32>
    %eq3A_349 = arith.constant 10 : i32
    %eq3A_350 = vector.broadcast %eq3A_349 : i32 to vector<128x128xi32>
    %eq3A_351 = arith.cmpi eq, %convert_element_type3A_247, %eq3A_350 : vector<128x128xi32>
    %slice3A_352 = vector.extract_strided_slice %add3A_225 {offsets = [10, 0], sizes = [1, 1], strides = [1, 1]} : vector<32x1xf32> to vector<1x1xf32>
    %squeeze3A_353 = vector.extract %slice3A_352[0, 0] : f32 from vector<1x1xf32>
    %jit3A_354 = arith.constant 0.000000e+00 : f32
    %broadcast_in_dim3A_355 = vector.broadcast %squeeze3A_353 : f32 to vector<128x128xf32>
    %broadcast_in_dim3A_356 = vector.broadcast %jit3A_354 : f32 to vector<128x128xf32>
    %select_n3A_357 = arith.select %eq3A_351, %broadcast_in_dim3A_355, %broadcast_in_dim3A_356 : vector<128x128xi1>, vector<128x128xf32>
    %add3A_358 = arith.addf %add3A_348, %select_n3A_357 : vector<128x128xf32>
    %eq3A_359 = arith.constant 11 : i32
    %eq3A_360 = vector.broadcast %eq3A_359 : i32 to vector<128x128xi32>
    %eq3A_361 = arith.cmpi eq, %convert_element_type3A_247, %eq3A_360 : vector<128x128xi32>
    %slice3A_362 = vector.extract_strided_slice %add3A_225 {offsets = [11, 0], sizes = [1, 1], strides = [1, 1]} : vector<32x1xf32> to vector<1x1xf32>
    %squeeze3A_363 = vector.extract %slice3A_362[0, 0] : f32 from vector<1x1xf32>
    %jit3A_364 = arith.constant 0.000000e+00 : f32
    %broadcast_in_dim3A_365 = vector.broadcast %squeeze3A_363 : f32 to vector<128x128xf32>
    %broadcast_in_dim3A_366 = vector.broadcast %jit3A_364 : f32 to vector<128x128xf32>
    %select_n3A_367 = arith.select %eq3A_361, %broadcast_in_dim3A_365, %broadcast_in_dim3A_366 : vector<128x128xi1>, vector<128x128xf32>
    %add3A_368 = arith.addf %add3A_358, %select_n3A_367 : vector<128x128xf32>
    %eq3A_369 = arith.constant 12 : i32
    %eq3A_370 = vector.broadcast %eq3A_369 : i32 to vector<128x128xi32>
    %eq3A_371 = arith.cmpi eq, %convert_element_type3A_247, %eq3A_370 : vector<128x128xi32>
    %slice3A_372 = vector.extract_strided_slice %add3A_225 {offsets = [12, 0], sizes = [1, 1], strides = [1, 1]} : vector<32x1xf32> to vector<1x1xf32>
    %squeeze3A_373 = vector.extract %slice3A_372[0, 0] : f32 from vector<1x1xf32>
    %jit3A_374 = arith.constant 0.000000e+00 : f32
    %broadcast_in_dim3A_375 = vector.broadcast %squeeze3A_373 : f32 to vector<128x128xf32>
    %broadcast_in_dim3A_376 = vector.broadcast %jit3A_374 : f32 to vector<128x128xf32>
    %select_n3A_377 = arith.select %eq3A_371, %broadcast_in_dim3A_375, %broadcast_in_dim3A_376 : vector<128x128xi1>, vector<128x128xf32>
    %add3A_378 = arith.addf %add3A_368, %select_n3A_377 : vector<128x128xf32>
    %eq3A_379 = arith.constant 13 : i32
    %eq3A_380 = vector.broadcast %eq3A_379 : i32 to vector<128x128xi32>
    %eq3A_381 = arith.cmpi eq, %convert_element_type3A_247, %eq3A_380 : vector<128x128xi32>
    %slice3A_382 = vector.extract_strided_slice %add3A_225 {offsets = [13, 0], sizes = [1, 1], strides = [1, 1]} : vector<32x1xf32> to vector<1x1xf32>
    %squeeze3A_383 = vector.extract %slice3A_382[0, 0] : f32 from vector<1x1xf32>
    %jit3A_384 = arith.constant 0.000000e+00 : f32
    %broadcast_in_dim3A_385 = vector.broadcast %squeeze3A_383 : f32 to vector<128x128xf32>
    %broadcast_in_dim3A_386 = vector.broadcast %jit3A_384 : f32 to vector<128x128xf32>
    %select_n3A_387 = arith.select %eq3A_381, %broadcast_in_dim3A_385, %broadcast_in_dim3A_386 : vector<128x128xi1>, vector<128x128xf32>
    %add3A_388 = arith.addf %add3A_378, %select_n3A_387 : vector<128x128xf32>
    %eq3A_389 = arith.constant 14 : i32
    %eq3A_390 = vector.broadcast %eq3A_389 : i32 to vector<128x128xi32>
    %eq3A_391 = arith.cmpi eq, %convert_element_type3A_247, %eq3A_390 : vector<128x128xi32>
    %slice3A_392 = vector.extract_strided_slice %add3A_225 {offsets = [14, 0], sizes = [1, 1], strides = [1, 1]} : vector<32x1xf32> to vector<1x1xf32>
    %squeeze3A_393 = vector.extract %slice3A_392[0, 0] : f32 from vector<1x1xf32>
    %jit3A_394 = arith.constant 0.000000e+00 : f32
    %broadcast_in_dim3A_395 = vector.broadcast %squeeze3A_393 : f32 to vector<128x128xf32>
    %broadcast_in_dim3A_396 = vector.broadcast %jit3A_394 : f32 to vector<128x128xf32>
    %select_n3A_397 = arith.select %eq3A_391, %broadcast_in_dim3A_395, %broadcast_in_dim3A_396 : vector<128x128xi1>, vector<128x128xf32>
    %add3A_398 = arith.addf %add3A_388, %select_n3A_397 : vector<128x128xf32>
    %eq3A_399 = arith.constant 15 : i32
    %eq3A_400 = vector.broadcast %eq3A_399 : i32 to vector<128x128xi32>
    %eq3A_401 = arith.cmpi eq, %convert_element_type3A_247, %eq3A_400 : vector<128x128xi32>
    %slice3A_402 = vector.extract_strided_slice %add3A_225 {offsets = [15, 0], sizes = [1, 1], strides = [1, 1]} : vector<32x1xf32> to vector<1x1xf32>
    %squeeze3A_403 = vector.extract %slice3A_402[0, 0] : f32 from vector<1x1xf32>
    %jit3A_404 = arith.constant 0.000000e+00 : f32
    %broadcast_in_dim3A_405 = vector.broadcast %squeeze3A_403 : f32 to vector<128x128xf32>
    %broadcast_in_dim3A_406 = vector.broadcast %jit3A_404 : f32 to vector<128x128xf32>
    %select_n3A_407 = arith.select %eq3A_401, %broadcast_in_dim3A_405, %broadcast_in_dim3A_406 : vector<128x128xi1>, vector<128x128xf32>
    %add3A_408 = arith.addf %add3A_398, %select_n3A_407 : vector<128x128xf32>
    %eq3A_409 = arith.constant 16 : i32
    %eq3A_410 = vector.broadcast %eq3A_409 : i32 to vector<128x128xi32>
    %eq3A_411 = arith.cmpi eq, %convert_element_type3A_247, %eq3A_410 : vector<128x128xi32>
    %slice3A_412 = vector.extract_strided_slice %add3A_225 {offsets = [16, 0], sizes = [1, 1], strides = [1, 1]} : vector<32x1xf32> to vector<1x1xf32>
    %squeeze3A_413 = vector.extract %slice3A_412[0, 0] : f32 from vector<1x1xf32>
    %jit3A_414 = arith.constant 0.000000e+00 : f32
    %broadcast_in_dim3A_415 = vector.broadcast %squeeze3A_413 : f32 to vector<128x128xf32>
    %broadcast_in_dim3A_416 = vector.broadcast %jit3A_414 : f32 to vector<128x128xf32>
    %select_n3A_417 = arith.select %eq3A_411, %broadcast_in_dim3A_415, %broadcast_in_dim3A_416 : vector<128x128xi1>, vector<128x128xf32>
    %add3A_418 = arith.addf %add3A_408, %select_n3A_417 : vector<128x128xf32>
    %eq3A_419 = arith.constant 17 : i32
    %eq3A_420 = vector.broadcast %eq3A_419 : i32 to vector<128x128xi32>
    %eq3A_421 = arith.cmpi eq, %convert_element_type3A_247, %eq3A_420 : vector<128x128xi32>
    %slice3A_422 = vector.extract_strided_slice %add3A_225 {offsets = [17, 0], sizes = [1, 1], strides = [1, 1]} : vector<32x1xf32> to vector<1x1xf32>
    %squeeze3A_423 = vector.extract %slice3A_422[0, 0] : f32 from vector<1x1xf32>
    %jit3A_424 = arith.constant 0.000000e+00 : f32
    %broadcast_in_dim3A_425 = vector.broadcast %squeeze3A_423 : f32 to vector<128x128xf32>
    %broadcast_in_dim3A_426 = vector.broadcast %jit3A_424 : f32 to vector<128x128xf32>
    %select_n3A_427 = arith.select %eq3A_421, %broadcast_in_dim3A_425, %broadcast_in_dim3A_426 : vector<128x128xi1>, vector<128x128xf32>
    %add3A_428 = arith.addf %add3A_418, %select_n3A_427 : vector<128x128xf32>
    %eq3A_429 = arith.constant 18 : i32
    %eq3A_430 = vector.broadcast %eq3A_429 : i32 to vector<128x128xi32>
    %eq3A_431 = arith.cmpi eq, %convert_element_type3A_247, %eq3A_430 : vector<128x128xi32>
    %slice3A_432 = vector.extract_strided_slice %add3A_225 {offsets = [18, 0], sizes = [1, 1], strides = [1, 1]} : vector<32x1xf32> to vector<1x1xf32>
    %squeeze3A_433 = vector.extract %slice3A_432[0, 0] : f32 from vector<1x1xf32>
    %jit3A_434 = arith.constant 0.000000e+00 : f32
    %broadcast_in_dim3A_435 = vector.broadcast %squeeze3A_433 : f32 to vector<128x128xf32>
    %broadcast_in_dim3A_436 = vector.broadcast %jit3A_434 : f32 to vector<128x128xf32>
    %select_n3A_437 = arith.select %eq3A_431, %broadcast_in_dim3A_435, %broadcast_in_dim3A_436 : vector<128x128xi1>, vector<128x128xf32>
    %add3A_438 = arith.addf %add3A_428, %select_n3A_437 : vector<128x128xf32>
    %eq3A_439 = arith.constant 19 : i32
    %eq3A_440 = vector.broadcast %eq3A_439 : i32 to vector<128x128xi32>
    %eq3A_441 = arith.cmpi eq, %convert_element_type3A_247, %eq3A_440 : vector<128x128xi32>
    %slice3A_442 = vector.extract_strided_slice %add3A_225 {offsets = [19, 0], sizes = [1, 1], strides = [1, 1]} : vector<32x1xf32> to vector<1x1xf32>
    %squeeze3A_443 = vector.extract %slice3A_442[0, 0] : f32 from vector<1x1xf32>
    %jit3A_444 = arith.constant 0.000000e+00 : f32
    %broadcast_in_dim3A_445 = vector.broadcast %squeeze3A_443 : f32 to vector<128x128xf32>
    %broadcast_in_dim3A_446 = vector.broadcast %jit3A_444 : f32 to vector<128x128xf32>
    %select_n3A_447 = arith.select %eq3A_441, %broadcast_in_dim3A_445, %broadcast_in_dim3A_446 : vector<128x128xi1>, vector<128x128xf32>
    %add3A_448 = arith.addf %add3A_438, %select_n3A_447 : vector<128x128xf32>
    %eq3A_449 = arith.constant 20 : i32
    %eq3A_450 = vector.broadcast %eq3A_449 : i32 to vector<128x128xi32>
    %eq3A_451 = arith.cmpi eq, %convert_element_type3A_247, %eq3A_450 : vector<128x128xi32>
    %slice3A_452 = vector.extract_strided_slice %add3A_225 {offsets = [20, 0], sizes = [1, 1], strides = [1, 1]} : vector<32x1xf32> to vector<1x1xf32>
    %squeeze3A_453 = vector.extract %slice3A_452[0, 0] : f32 from vector<1x1xf32>
    %jit3A_454 = arith.constant 0.000000e+00 : f32
    %broadcast_in_dim3A_455 = vector.broadcast %squeeze3A_453 : f32 to vector<128x128xf32>
    %broadcast_in_dim3A_456 = vector.broadcast %jit3A_454 : f32 to vector<128x128xf32>
    %select_n3A_457 = arith.select %eq3A_451, %broadcast_in_dim3A_455, %broadcast_in_dim3A_456 : vector<128x128xi1>, vector<128x128xf32>
    %add3A_458 = arith.addf %add3A_448, %select_n3A_457 : vector<128x128xf32>
    %eq3A_459 = arith.constant 21 : i32
    %eq3A_460 = vector.broadcast %eq3A_459 : i32 to vector<128x128xi32>
    %eq3A_461 = arith.cmpi eq, %convert_element_type3A_247, %eq3A_460 : vector<128x128xi32>
    %slice3A_462 = vector.extract_strided_slice %add3A_225 {offsets = [21, 0], sizes = [1, 1], strides = [1, 1]} : vector<32x1xf32> to vector<1x1xf32>
    %squeeze3A_463 = vector.extract %slice3A_462[0, 0] : f32 from vector<1x1xf32>
    %jit3A_464 = arith.constant 0.000000e+00 : f32
    %broadcast_in_dim3A_465 = vector.broadcast %squeeze3A_463 : f32 to vector<128x128xf32>
    %broadcast_in_dim3A_466 = vector.broadcast %jit3A_464 : f32 to vector<128x128xf32>
    %select_n3A_467 = arith.select %eq3A_461, %broadcast_in_dim3A_465, %broadcast_in_dim3A_466 : vector<128x128xi1>, vector<128x128xf32>
    %add3A_468 = arith.addf %add3A_458, %select_n3A_467 : vector<128x128xf32>
    %eq3A_469 = arith.constant 22 : i32
    %eq3A_470 = vector.broadcast %eq3A_469 : i32 to vector<128x128xi32>
    %eq3A_471 = arith.cmpi eq, %convert_element_type3A_247, %eq3A_470 : vector<128x128xi32>
    %slice3A_472 = vector.extract_strided_slice %add3A_225 {offsets = [22, 0], sizes = [1, 1], strides = [1, 1]} : vector<32x1xf32> to vector<1x1xf32>
    %squeeze3A_473 = vector.extract %slice3A_472[0, 0] : f32 from vector<1x1xf32>
    %jit3A_474 = arith.constant 0.000000e+00 : f32
    %broadcast_in_dim3A_475 = vector.broadcast %squeeze3A_473 : f32 to vector<128x128xf32>
    %broadcast_in_dim3A_476 = vector.broadcast %jit3A_474 : f32 to vector<128x128xf32>
    %select_n3A_477 = arith.select %eq3A_471, %broadcast_in_dim3A_475, %broadcast_in_dim3A_476 : vector<128x128xi1>, vector<128x128xf32>
    %add3A_478 = arith.addf %add3A_468, %select_n3A_477 : vector<128x128xf32>
    %eq3A_479 = arith.constant 23 : i32
    %eq3A_480 = vector.broadcast %eq3A_479 : i32 to vector<128x128xi32>
    %eq3A_481 = arith.cmpi eq, %convert_element_type3A_247, %eq3A_480 : vector<128x128xi32>
    %slice3A_482 = vector.extract_strided_slice %add3A_225 {offsets = [23, 0], sizes = [1, 1], strides = [1, 1]} : vector<32x1xf32> to vector<1x1xf32>
    %squeeze3A_483 = vector.extract %slice3A_482[0, 0] : f32 from vector<1x1xf32>
    %jit3A_484 = arith.constant 0.000000e+00 : f32
    %broadcast_in_dim3A_485 = vector.broadcast %squeeze3A_483 : f32 to vector<128x128xf32>
    %broadcast_in_dim3A_486 = vector.broadcast %jit3A_484 : f32 to vector<128x128xf32>
    %select_n3A_487 = arith.select %eq3A_481, %broadcast_in_dim3A_485, %broadcast_in_dim3A_486 : vector<128x128xi1>, vector<128x128xf32>
    %add3A_488 = arith.addf %add3A_478, %select_n3A_487 : vector<128x128xf32>
    %eq3A_489 = arith.constant 24 : i32
    %eq3A_490 = vector.broadcast %eq3A_489 : i32 to vector<128x128xi32>
    %eq3A_491 = arith.cmpi eq, %convert_element_type3A_247, %eq3A_490 : vector<128x128xi32>
    %slice3A_492 = vector.extract_strided_slice %add3A_225 {offsets = [24, 0], sizes = [1, 1], strides = [1, 1]} : vector<32x1xf32> to vector<1x1xf32>
    %squeeze3A_493 = vector.extract %slice3A_492[0, 0] : f32 from vector<1x1xf32>
    %jit3A_494 = arith.constant 0.000000e+00 : f32
    %broadcast_in_dim3A_495 = vector.broadcast %squeeze3A_493 : f32 to vector<128x128xf32>
    %broadcast_in_dim3A_496 = vector.broadcast %jit3A_494 : f32 to vector<128x128xf32>
    %select_n3A_497 = arith.select %eq3A_491, %broadcast_in_dim3A_495, %broadcast_in_dim3A_496 : vector<128x128xi1>, vector<128x128xf32>
    %add3A_498 = arith.addf %add3A_488, %select_n3A_497 : vector<128x128xf32>
    %eq3A_499 = arith.constant 25 : i32
    %eq3A_500 = vector.broadcast %eq3A_499 : i32 to vector<128x128xi32>
    %eq3A_501 = arith.cmpi eq, %convert_element_type3A_247, %eq3A_500 : vector<128x128xi32>
    %slice3A_502 = vector.extract_strided_slice %add3A_225 {offsets = [25, 0], sizes = [1, 1], strides = [1, 1]} : vector<32x1xf32> to vector<1x1xf32>
    %squeeze3A_503 = vector.extract %slice3A_502[0, 0] : f32 from vector<1x1xf32>
    %jit3A_504 = arith.constant 0.000000e+00 : f32
    %broadcast_in_dim3A_505 = vector.broadcast %squeeze3A_503 : f32 to vector<128x128xf32>
    %broadcast_in_dim3A_506 = vector.broadcast %jit3A_504 : f32 to vector<128x128xf32>
    %select_n3A_507 = arith.select %eq3A_501, %broadcast_in_dim3A_505, %broadcast_in_dim3A_506 : vector<128x128xi1>, vector<128x128xf32>
    %add3A_508 = arith.addf %add3A_498, %select_n3A_507 : vector<128x128xf32>
    %eq3A_509 = arith.constant 26 : i32
    %eq3A_510 = vector.broadcast %eq3A_509 : i32 to vector<128x128xi32>
    %eq3A_511 = arith.cmpi eq, %convert_element_type3A_247, %eq3A_510 : vector<128x128xi32>
    %slice3A_512 = vector.extract_strided_slice %add3A_225 {offsets = [26, 0], sizes = [1, 1], strides = [1, 1]} : vector<32x1xf32> to vector<1x1xf32>
    %squeeze3A_513 = vector.extract %slice3A_512[0, 0] : f32 from vector<1x1xf32>
    %jit3A_514 = arith.constant 0.000000e+00 : f32
    %broadcast_in_dim3A_515 = vector.broadcast %squeeze3A_513 : f32 to vector<128x128xf32>
    %broadcast_in_dim3A_516 = vector.broadcast %jit3A_514 : f32 to vector<128x128xf32>
    %select_n3A_517 = arith.select %eq3A_511, %broadcast_in_dim3A_515, %broadcast_in_dim3A_516 : vector<128x128xi1>, vector<128x128xf32>
    %add3A_518 = arith.addf %add3A_508, %select_n3A_517 : vector<128x128xf32>
    %eq3A_519 = arith.constant 27 : i32
    %eq3A_520 = vector.broadcast %eq3A_519 : i32 to vector<128x128xi32>
    %eq3A_521 = arith.cmpi eq, %convert_element_type3A_247, %eq3A_520 : vector<128x128xi32>
    %slice3A_522 = vector.extract_strided_slice %add3A_225 {offsets = [27, 0], sizes = [1, 1], strides = [1, 1]} : vector<32x1xf32> to vector<1x1xf32>
    %squeeze3A_523 = vector.extract %slice3A_522[0, 0] : f32 from vector<1x1xf32>
    %jit3A_524 = arith.constant 0.000000e+00 : f32
    %broadcast_in_dim3A_525 = vector.broadcast %squeeze3A_523 : f32 to vector<128x128xf32>
    %broadcast_in_dim3A_526 = vector.broadcast %jit3A_524 : f32 to vector<128x128xf32>
    %select_n3A_527 = arith.select %eq3A_521, %broadcast_in_dim3A_525, %broadcast_in_dim3A_526 : vector<128x128xi1>, vector<128x128xf32>
    %add3A_528 = arith.addf %add3A_518, %select_n3A_527 : vector<128x128xf32>
    %swap3A = arith.constant 0 : index
    %swap3A_529 = arith.constant 0 : index
    %swap3A_530 = vector.load %arg19[%swap3A, %swap3A_529] : memref<128x128xf32, #tpu.memory_space<vmem>>, vector<128x128xf32>
    tpu.vector_store %arg19[%swap3A, %swap3A_529], %add3A_528 {strides = array<i32>} : memref<128x128xf32, #tpu.memory_space<vmem>>, vector<128x128xf32>,
    return
  }
}

</mosaic_0001>

<sc_bundles>
// kernel: kernel.4.cloned.1.call-start
scs
__scs_entry_jumppad:
0x0: {  	(pc) =	sbr.rel $0x88, $3  }
0x1: {  	(tag) =	ssettag $0x0;
	lr =	simm.s32 $0x1  }
0x2: {  	[smem:$0x3F90] =	sst lr;
	_ =	strace $0xD0000000  }
0x3: {  	_ = 	snop  }
0x4: {  	_ = 	snop  }
0x5: {  	_ = 	snop  }
0x6: {  	_ = 	snop  }
0x7: {  	_ = 	snop  }
__scs_overlays_trampoline_lowered:
0x8: {  	[smem:$0x3F9F] =	sst s0  }
0x9: {  	[smem:$0x3FA0] =	sst s1  }
0xa: {  	[smem:$0x3FA1] =	sst s2  }
0xb: {  	[smem:$0x3FA2] =	sst s3  }
0xc: {  	[smem:$0x3FA3] =	sst s4  }
0xd: {  	[smem:$0x3FA4] =	sst s5  }
0xe: {  	[smem:$0x3FA5] =	sst s6  }
0xf: {  	[smem:$0x3FA6] =	sst s7  }
0x10: {  	[smem:$0x3FA7] =	sst s8  }
0x11: {  	[smem:$0x3FA8] =	sst s9;
	s0 =	simm.s32 @!p0 $0x0  }
0x12: {  	s1 =	sld [smem:$0x3F8E];
	s0 =	simm.s32 @p0 $0x1  }
0x13: {  	[smem:$0x3FA9] =	sst s0;
	s0 =	simm.s32 @!p1 $0x0  }
0x14: {  	s2 =	sld [smem:$0x3F8D];
	s0 =	simm.s32 @p1 $0x1  }
0x15: {  	[smem:$0x3FAA] =	sst s0;
	s0 =	simm.s32 @!p2 $0x0  }
0x16: {  	s3 =	sld [smem:$0x3FDB];
	s0 =	simm.s32 @p2 $0x1  }
0x17: {  	s4 =	simm.s32 $0x1BF5;
	[smem:$0x3FAC] =	sst s0  }
0x18: {  	s0 =	sld [smem:$0x3F8F];
	_ =	swait.ge [sflag:s4], $0x0  }
0x19: {  	s7 =	sld [smem:$0x3F90]  }
0x1a: {  	s8 =	sadd.s32 $0xFFFFE003, lr  }
0x1b: {  	s9 =	sadd.s32 $0xFFFFFEF7, lr;
	s5 =	simm.s32 $0xFFFFFFFF;
	p2 =	slt.u32 s8, $0xFFFFF086  }
0x1c: {  	p1 =	slt.u32 s9, $0xF7A;
	s5 =	simm.s32 @!p2 $0x0  }
0x1d: {  	s5 =	simm.s32 @p1 $0x1;
	p0 =	seq.s32 s7, s2  }
0x1e: {  	s7 =	smul.u32 @!p0 $0xF7A, s2;
	p2 =	seq.s32 @!p0 s5, $0x0  }
0x1f: {  	s9 =	smul.u32 $0xF7A, s1;
	s8 =	simm.s32 @!p0 $0x1BF5;
	p2 =	por !p2, p0  }
0x20: {  	[sflag:s8] =	ssyncset.s32 @!p0 $0xFFFFF086;
	s6 =	sadd.s32 @!p0 s3, s7;
	s7 =	simm.s32 @!p0 $0x108  }
0x21: {  	s3 =	sadd.s32 s3, s9;
	s6 =	sadd.s32 @!p0 $0x88, s6;
	s7 =	simm.s32 @p2 $0x1082  }
0x22: {  	[simem:s7], [sflag:s8] =	dma.local @!p0 [hbm:s6], $0xF7A  }
0x23: {  	s9 =	sor.u32 $0xD0000000, s2;
	s6 =	simm.s32 $0x108;
	_ =	swait.ge @!p0 [sflag:s8], $0x0  }
0x24: {  	s3 =	sadd.s32 $0x88, s3;
	s6 =	simm.s32 @!p1 $0x1082;
	[sflag:s4] =	ssyncset.s32 $0xFFFFF086  }
0x25: {  	[simem:s6], [sflag:s4] =	dma.local [hbm:s3], $0xF7A  }
0x26: {  	[smem:$0x3F90] =	sst s1;
	(tag) =	ssettag s2;
	_ =	strace s9  }
0x27: {  	s1 =	sld [smem:$0x3FA0]  }
0x28: {  	s2 =	sld [smem:$0x3FA1]  }
0x29: {  	s4 =	sld [smem:$0x3FA3]  }
0x2a: {  	p0 =	seq.s32 s5, $0x0;
	s5 =	sld [smem:$0x3FA4]  }
0x2b: {  	s6 =	sld [smem:$0x3FA5]  }
0x2c: {  	s7 =	sld [smem:$0x3FA6]  }
0x2d: {  	s3 =	simm.s32 $0x108;
	s8 =	sld [smem:$0x3FA7]  }
0x2e: {  	s3 =	simm.s32 @!p0 $0x1082;
	s9 =	sld [smem:$0x3FA8]  }
0x2f: {  	lr =	sadd.s32 s0, s3;
	s0 =	sld [smem:$0x3F9F]  }
0x30: {  	s3 =	sld [smem:$0x3FA2]  }
0x31: {  	[smem:$0x3FAB] =	sst s10  }
0x32: {  	s10 =	sld [smem:$0x3FA9];
	_ =	sdelay $0x3  }
0x33: {  	p0 =	seq.s32 s10, $0x1;
	s10 =	sld [smem:$0x3FAB];
	_ =	sdelay $0x3  }
0x34: {  	[smem:$0x3FAB] =	sst s10  }
0x35: {  	s10 =	sld [smem:$0x3FAA];
	_ =	sdelay $0x3  }
0x36: {  	p1 =	seq.s32 s10, $0x1;
	s10 =	sld [smem:$0x3FAB];
	_ =	sdelay $0x3  }
0x37: {  	[smem:$0x3FAB] =	sst s10  }
0x38: {  	s10 =	sld [smem:$0x3FAC]  }
0x39: {  	_ = 	snop;
	(pc) =	sbr.ind lr, $3  }
0x3a: {  	_ = 	snop  }
0x3b: {  	_ = 	snop  }
0x3c: {  	p2 =	seq.s32 s10, $0x1;
	s10 =	sld [smem:$0x3FAB]  }
0x3d: {  	_ =	shalt  }
0x3e: {  	_ =	shalt  }
0x3f: {  	_ =	shalt  }
0x40: {  	_ =	shalt  }
0x41: {  	_ =	shalt  }
0x42: {  	_ =	shalt  }
0x43: {  	_ =	shalt  }
0x44: {  	_ =	shalt  }
0x45: {  	_ =	shalt  }
0x46: {  	_ =	shalt  }
0x47: {  	_ =	shalt  }
0x48: {  	_ =	shalt  }
0x49: {  	_ =	shalt  }
0x4a: {  	_ =	shalt  }
0x4b: {  	_ =	shalt  }
0x4c: {  	_ =	shalt  }
0x4d: {  	_ =	shalt  }
0x4e: {  	_ =	shalt  }
0x4f: {  	_ =	shalt  }
0x50: {  	_ =	shalt  }
0x51: {  	_ =	shalt  }
0x52: {  	_ =	shalt  }
0x53: {  	_ =	shalt  }
0x54: {  	_ =	shalt  }
0x55: {  	_ =	shalt  }
0x56: {  	_ =	shalt  }
0x57: {  	_ =	shalt  }
0x58: {  	_ =	shalt  }
0x59: {  	_ =	shalt  }
0x5a: {  	_ =	shalt  }
0x5b: {  	_ =	shalt  }
0x5c: {  	_ =	shalt  }
0x5d: {  	_ =	shalt  }
0x5e: {  	_ =	shalt  }
0x5f: {  	_ =	shalt  }
0x60: {  	_ =	shalt  }
0x61: {  	_ =	shalt  }
0x62: {  	_ =	shalt  }
0x63: {  	_ =	shalt  }
0x64: {  	_ =	shalt  }
0x65: {  	_ =	shalt  }
0x66: {  	_ =	shalt  }
0x67: {  	_ =	shalt  }
0x68: {  	_ =	shalt  }
0x69: {  	_ =	shalt  }
0x6a: {  	_ =	shalt  }
0x6b: {  	_ =	shalt  }
0x6c: {  	_ =	shalt  }
0x6d: {  	_ =	shalt  }
0x6e: {  	_ =	shalt  }
0x6f: {  	_ =	shalt  }
0x70: {  	_ =	shalt  }
0x71: {  	_ =	shalt  }
0x72: {  	_ =	shalt  }
0x73: {  	_ =	shalt  }
0x74: {  	_ =	shalt  }
0x75: {  	_ =	shalt  }
0x76: {  	_ =	shalt  }
0x77: {  	_ =	shalt  }
0x78: {  	_ =	shalt  }
0x79: {  	_ =	shalt  }
0x7a: {  	_ =	shalt  }
0x7b: {  	_ =	shalt  }
0x7c: {  	_ =	shalt  }
0x7d: {  	_ =	shalt  }
0x7e: {  	_ =	shalt  }
0x7f: {  	_ =	shalt  }
0x80: {  	_ =	shalt  }
0x81: {  	_ =	shalt  }
0x82: {  	_ =	shalt  }
0x83: {  	_ =	shalt  }
0x84: {  	_ =	shalt  }
0x85: {  	_ =	shalt  }
0x86: {  	_ =	shalt  }
0x87: {  	_ =	shalt  }
.Lfunc_end0:
.L_simem_size_0:
called_computation_lowered:
.L_overlay_start_0:
0x88: {  	s2 =	sld [smem:$0x3FD9]  }
0x89: {  	s3 =	sld [smem:$0x3FFE];
	_ =	sdelay $0x1  }
0x8a: {  	s1 =	srdreg.scid  }
0x8b: {  	s0 =	sand.u32 $0x1, s1  }
0x8c: {  	s17 =	sshll.u32 s0, $0xA;
	s2 =	sadd.s32 s3, s2  }
0x8d: {  	s2 =	sadd.s32 s2, s17  }
0x8e: {  	[smem:$0x3FB7] =	sst s2  }
0x8f: {  	_ = 	snop  }
0x90: {  	s2 =	sld [smem:$0x3FD0];
	(tm) =	ssettm $0x1  }
0x91: {  	s18 =	sld [smem:$0x3FFB];
	_ =	sdelay $0x3  }
0x92: {  	_ =	strace s18  }
0x93: {  	s3 =	sld [smem:$0x3FFC];
	_ =	sdelay $0x3  }
0x94: {  	_ =	strace s3  }
0x95: {  	s3 =	sld [smem:$0x3FFD];
	_ =	sdelay $0x3  }
0x96: {  	_ =	strace s3  }
0x97: {  	_ =	strace $0x8FFFFFFF  }
0x98: {  	s19 =	sld [smem:$0x3FDB];
	_ =	sdelay $0x1  }
0x99: {  	s4 =	simm.s32 $_scs_section_size  }
0x9a: {  	s5 =	simm.s32 $_size__tile_overlayer_lowered;
	s6 =	simm.s32 $_tile_overlayer_lowered  }
0x9b: {  	s22 =	simm.s32 $0x1BFF;
	s21 =	sshll.u32 s6, $0x1;
	s3 =	sadd.s32 s4, s19  }
0x9c: {  	s7 =	simm.s32 $0x0;
	s20 =	sshll.u32 s5, $0x1;
	s5 =	sadd.s32 s21, s3  }
0x9d: {  	[timem:s7], [sflag:s22] =	dma.local [hbm:s5], s20  }
0x9e: {  	_ =	swait.ge [sflag:s22], s20  }
0x9f: {  	s4 =	ssub.s32 $0x0, s20;
	[sflag:s22] =	ssyncset.done $0x0  }
0xa0: {  	[sflag:s22] =	ssyncadd.s32 s4;
	_ =	sdelay $0x1  }
0xa1: {  	s23 =	simm.s32 $0x1B8B  }
0xa2: {  	_ =	swait.ge [sflag:s23], $0x1  }
0xa3: {  	[sflag:s23] =	ssyncset.done $0x0  }
0xa4: {  	s25 =	simm.s32 $0x1B8E;
	s24 =	sld [smem:$0x3FFE];
	[sflag:s23] =	ssyncadd.s32 $0xFFFFFFFF  }
0xa5: {  	s26 =	simm.s32 $execute0_lowered;
	[smem:$0x3FD2] =	sst s25  }
0xa6: {  	s5 =	sshll.u32 s26, $0x1;
	_ =	strace $0x80000046;
	[dreg:$0x1] =	wrdreg $0xFFFFFFFF  }
0xa7: {  	s28 =	simm.s32 $_size_execute0_lowered;
	s3 =	sadd.s32 s3, s5;
	[dreg:$0x0] =	wrdreg $0x0  }
0xa8: {  	s5 =	sshll.u32 s28, $0x1;
	[dreg:$0x2] =	wrdreg s3  }
0xa9: {  	[dreg:$0x3] =	wrdreg s5  }
0xaa: {  	[dreg:$0x4] =	wrdreg $0xC0  }
0xab: {  	_ =	task [dreg:s7], $0x5FFFF  }
0xac: {  	[dreg:$0x1] =	wrdreg $0xFFFFFFFF  }
0xad: {  	[dreg:$0x0] =	wrdreg $0x60  }
0xae: {  	[dreg:$0x2] =	wrdreg s24  }
0xaf: {  	[dreg:$0x3] =	wrdreg s2  }
0xb0: {  	[dreg:$0x4] =	wrdreg $0x9  }
0xb1: {  	_ =	task.clear_ibuf [dreg:s7], $0x5FFFF;
	_ =	strace $0x90000046  }
0xb2: {  	s29 =	simm.s32 $0x9;
	_ =	strace $0x80000048  }
0xb3: {  	_ =	swait.ge [sflag:s29], $0x1  }
0xb4: {  	[sflag:s29] =	ssyncadd.s32 $0xFFFFFFFF  }
0xb5: {  	_ =	strace $0x90000048  }
0xb6: {  	_ =	sfence  }
0xb7: {  	s30 =	sld [smem:$0x0];
	_ =	sdelay $0x2  }
0xb8: {  	s31 =	sshll.u32 s1, $0xD;
	s1 =	sshrl.u32 s1, $0x2  }
0xb9: {  	s3 =	sand.u32 $0x4000, s31;
	s1 =	sadd.s32 s1, s30  }
0xba: {  	s0 =	sor.u32 s3, s0;
	s1 =	sshll.u32 s1, $0x11  }
0xbb: {  	s0 =	sor.u32 s1, s0  }
0xbc: {  	s0 =	sadd.s32 $0x8F2B, s0  }
0xbd: {  	[sflag:s0] =	ssyncadd.remote.s32 $0x1  }
0xbe: {  	_ =	sfence.sel $0xFFFF  }
0xbf: {  	[dreg:$0x0] =	wrdreg $0xFFFFFFFF;
	(pc) =	sbr.abs _section_cstart, $3  }
0xc0: {  	[dreg:$0x1] =	wrdreg $0xFFFFFFFF  }
0xc1: {  	_ =	task.clear_ibuf [dreg:s7], $0x2FFFF;
	_ =	strace $0x9FFFFFFF  }
0xc2: {  	(tm) =	ssettm $0x7FFFFFFF  }
0xc3: {  	_ =	shalt  }
tec
execute0_lowered:
.L_overlay_start_1:
0x0: {  	(tag) =	ssettag $0x1  }
0x1: {  	s3 =	rddreg [dreg:$0x0]  }
0x2: {  	s4 =	rddreg [dreg:$0x1]  }
0x3: {  	s0 =	rddreg [dreg:$0x2]  }
0x4: {  	s5 =	srdreg.scid;
	s1 =	stileid.u32  }
0x5: {  	s2 =	simm.s32 $0x0;
	s5 =	sand.u32 $0x1, s5;
	s6 =	sshll.u32 s1, $0x1  }
0x6: {  	s10 =	simm.s32 $0x0;
	[smem:$0x7FF] =	sst s2;
	s6 =	sor.u32 s5, s6  }
0x7: {  	vm10 =	vmmov $0x1;
	vm9 =	vcmask $0x308;
	_ =	strace $0x80000047;
	s5 =	ssub.s32 $0x2, s5;
	s7 =	sshll.u32 s6, $0x6  }
0x8: {  	vm7 =	vcmask $0x70C;
	vm4 =	vcmask $0xB10;
	vm0 =	vcmask $0x1318;
	s6 =	sshll.u32 s6, $0x2;
	s31 =	sshrl.u32 s5, $0x1;
	s8 =	sadd.s32 s7, s3  }
0x9: {  	vm5 =	vcmask $0x1B20;
	vm1 =	vmmov $0x7fff;
	v0 =	vimm.s32 $0x0;
	s6 =	sadd.s32 s6, s3;
	s9 =	ssub.s32 s5, s31;
	s4 =	sadd.s32 s4, s7  }
0xa: {  	vm6 =	vcmask $0x272C;
	vm8 =	vcmask $0x2B30;
	v0 =	vsel vm1, $0xFFFFFFFF, v0;
	s7 =	simm.s32 $0x1;
	s3 =	sadd.s32 $0x2A00, s8;
	s5 =	sadd.s32 $0x3200, s6  }
0xb: {  	vm11 =	vcmask $0x2F34;
	vm12 =	vcmask $0x3338;
	vm13 =	vcmask $0x373C;
	[tilespmem:$0x1FFF0] =	vst v0;
	s6 =	smax.u32 s9, $0x1;
	s8 =	simm.s32 $0x200;
	s9 =	simm.s32 $0x400  }
.LBB2_1:
0xc: {  	[tilespmem:s2], [sflag:$0x1] =	stream.linear.gather [hbm4b:s3+s2], $0x200, $0x38;
	[tilespmem:$0x480] =	vst v63  }
0xd: {  	_ =	swait.ge [sflag:s7], $0x200  }
0xe: {  	[sflag:s7] =	ssyncset.done $0x0  }
0xf: {  	[sflag:s7] =	ssyncadd.s32 $0xFFFFFE00  }
0x10: {  	[tilespmem:s8], [sflag:$0x1] =	stream.linear.gather [hbm4b:s4+s2], $0x200, $0x38;
	[tilespmem:$0x480] =	vst v63  }
0x11: {  	_ =	swait.ge [sflag:s7], $0x200  }
0x12: {  	[sflag:s7] =	ssyncset.done $0x0  }
0x13: {  	s11 =	simm.s32 $0x0;
	[sflag:s7] =	ssyncadd.s32 $0xFFFFFE00  }
0x14: {  	v0 =	vld [tilespmem:s11+$0x0];
	_ =	sdelay $0x1  }
0x15: {  	v1 =	vld [tilespmem:s11+$0x200];
	_ =	sdelay $0x2  }
0x16: {  	v0 =	vmax.f32 v0, $0.0e+00  }
0x17: {  	v0 =	vmin.f32 v0, $3.000000000e+00  }
0x18: {  	v1 =	vmax.f32 v1, $0.0e+00;
	v0 =	vmul.f32 $7.000000000e+00, v0  }
0x19: {  	v1 =	vmin.f32 v1, $6.000000000e+00  }
0x1a: {  	v0 =	vadd.f32 v1, v0;
	_ =	sdelay $0x1  }
0x1b: {  	v0 =	vtrunc.f32 v0  }
0x1c: {  	v0 =	vcvt.f32.s32 v0  }
0x1d: {  	v4 =	vimm.s32 $0x0  }
0x1e: {  	vm2 =	veq.s32 v0, $0x0;
	vm1 =	veq.s32 v0, $0x1;
	vm3 =	veq.s32 v0, $0x5  }
0x1f: {  	vm15 =	veq.s32 v0, $0x19;
	vm14 =	veq.s32 v0, $0xC;
	v1 =	vmpcnt.ones.xlane vm2  }
0x20: {  	vm2 =	veq.s32 v0, $0x1A;
	v5 =	vmpcnt.ones.xlane vm3;
	vm3 =	veq.s32 v0, $0x18  }
0x21: {  	v19 =	vmpcnt.ones.xlane vm1;
	vm1 =	veq.s32 v0, $0x12;
	v3 =	vmpcnt.ones.xlane vm2  }
0x22: {  	vm2 =	veq.s32 v0, $0x6;
	v2 =	vmpcnt.ones.xlane vm3;
	vm3 =	veq.s32 v0, $0x11  }
0x23: {  	v21 =	vmpcnt.ones.xlane vm1;
	vm1 =	veq.s32 v0, $0xB;
	v6 =	vmpcnt.ones.xlane vm2  }
0x24: {  	vm2 =	veq.s32 v0, $0x7;
	v10 =	vmpcnt.ones.xlane vm3;
	vm3 =	veq.s32 v0, $0x8  }
0x25: {  	v1 =	vnsel vm10, $0x0, v1;
	v14 =	vmpcnt.ones.xlane vm1;
	vm1 =	veq.s32 v0, $0x9  }
0x26: {  	v8 =	vmpcnt.ones.xlane vm2;
	vm2 =	veq.s32 v0, $0x10;
	v11 =	vmpcnt.ones.xlane vm3  }
0x27: {  	vm3 =	veq.s32 v0, $0x17;
	v18 =	vadd.s32 v4, v1;
	v1 =	vsel vm6, $0x0, v3  }
0x28: {  	v3 =	vsel vm0, $0x0, v5;
	v9 =	vmpcnt.ones.xlane vm2;
	vm2 =	veq.s32 v0, $0x2  }
0x29: {  	v15 =	vmpcnt.ones.xlane vm3;
	vm3 =	veq.s32 v0, $0x16;
	v10 =	vsel vm9, $0x0, v10  }
0x2a: {  	v12 =	vmpcnt.ones.xlane vm2;
	vm2 =	veq.s32 v0, $0x4;
	v7 =	vmpcnt.ones.xlane vm3  }
0x2b: {  	vm3 =	veq.s32 v0, $0xF;
	v13 =	vmpcnt.ones.xlane vm2;
	vm2 =	veq.s32 v0, $0x13  }
0x2c: {  	v5 =	vnsel vm10, $0x0, v9;
	v9 =	vmpcnt.ones.xlane vm1;
	vm1 =	veq.s32 v0, $0xA  }
0x2d: {  	v16 =	vmpcnt.ones.xlane vm2;
	vm2 =	veq.s32 v0, $0x15;
	v5 =	vadd.s32 v4, v5  }
0x2e: {  	v22 =	vmpcnt.ones.xlane vm1;
	vm1 =	veq.s32 v0, $0x14;
	v17 =	vmpcnt.ones.xlane vm2  }
0x2f: {  	vm2 =	veq.s32 v0, $0x3;
	v23 =	vadd.s32 v10, v5;
	v10 =	vmpcnt.ones.xlane vm1  }
0x30: {  	vm1 =	vmmov vm0;
	v5 =	vsel vm5, $0x0, v8;
	vm0 =	vcmask $0x1F24  }
0x31: {  	v8 =	vsel vm7, $0x0, v12;
	v20 =	vmpcnt.ones.xlane vm2;
	vm2 =	vcmask $0x171C  }
0x32: {  	v24 =	vsel vm4, $0x0, v16;
	v16 =	vsel vm9, $0x0, v19;
	v4 =	vsel vm2, $0x0, v6  }
0x33: {  	v6 =	vsel vm0, $0x0, v11;
	vm0 =	vcmask $0xF14;
	v11 =	vsel vm7, $0x0, v21  }
0x34: {  	v16 =	vadd.s32 v16, v18;
	v13 =	vsel vm0, $0x0, v13;
	v12 =	vsel vm4, $0x0, v20  }
0x35: {  	vm0 =	vcmask $0x2328;
	v18 =	vadd.s32 v11, v23;
	v16 =	vadd.s32 v8, v16  }
0x36: {  	v11 =	vsel vm1, $0x0, v17;
	v8 =	vsel vm5, $0x0, v15;
	v9 =	vsel vm0, $0x0, v9  }
0x37: {  	s11 =	simm.s32 $0x40;
	v16 =	vadd.s32 v12, v16;
	v12 =	vsel vm6, $0x0, v22;
	v15 =	vadd.s32 v24, v18  }
.LBB2_2:
0x38: {  	vm1 =	veq.s32 v0, $0xD  }
0x39: {  	vm2 =	veq.s32 v0, $0xE;
	vm0 =	vcmask $0x171C;
	v19 =	vmpcnt.ones.xlane vm15  }
0x3a: {  	v13 =	vadd.s32 v13, v16;
	vm15 =	vcmask $0x1318;
	v14 =	vsel vm8, $0x0, v14  }
0x3b: {  	v18 =	vmpcnt.ones.xlane vm2;
	v7 =	vsel vm0, $0x0, v7;
	v16 =	vmpcnt.ones.xlane vm1  }
0x3c: {  	s12 =	sshra.s32 s11, $0x2;
	vm1 =	veq.s32 v0, $0x1B;
	v0 =	vadd.s32 v3, v13;
	vm0 =	vcmask $0xF14  }
0x3d: {  	v17 =	vld [tilespmem:s12+$0x0];
	v13 =	vmpcnt.ones.xlane vm1;
	v0 =	vadd.s32 v4, v0;
	v10 =	vsel vm0, $0x0, v10  }
0x3e: {  	vm0 =	vcmask $0x1F24;
	vm1 =	vmmov vm11;
	v3 =	vsel vm13, $0x0, v18  }
0x3f: {  	v20 =	vld [tilespmem:s12+$0x200];
	v4 =	vsel vm12, $0x0, v16;
	v0 =	vadd.s32 v5, v0;
	v5 =	vmpcnt.ones.xlane vm14  }
0x40: {  	v10 =	vadd.s32 v10, v15;
	v2 =	vsel vm0, $0x0, v2;
	v0 =	vadd.s32 v6, v0  }
0x41: {  	vm0 =	vcmask $0x2328;
	v10 =	vadd.s32 v11, v10;
	v0 =	vadd.s32 v9, v0  }
0x42: {  	v9 =	vmpcnt.ones.xlane vm3;
	v5 =	vsel vm11, $0x0, v5;
	v15 =	vmax.f32 v17, $0.0e+00  }
0x43: {  	v7 =	vadd.s32 v7, v10;
	v0 =	vadd.s32 v12, v0;
	v6 =	vmin.f32 v15, $3.000000000e+00  }
0x44: {  	v10 =	vld [tilespmem:$0x1FFF0];
	v12 =	vsel vm0, $0x0, v19;
	v15 =	vmax.f32 v20, $0.0e+00;
	v6 =	vmul.f32 $7.000000000e+00, v6  }
0x45: {  	v7 =	vadd.s32 v8, v7;
	v0 =	vadd.s32 v14, v0;
	v11 =	vmin.f32 v15, $6.000000000e+00  }
0x46: {  	v2 =	vadd.s32 v2, v7;
	v5 =	vadd.s32 v5, v0;
	v6 =	vadd.f32 v11, v6  }
0x47: {  	vm11 =	vmmov vm7;
	v2 =	vadd.s32 v12, v2;
	v4 =	vadd.s32 v4, v5  }
0x48: {  	v1 =	vadd.s32 v1, v2;
	v2 =	vsel vm8, $0x0, v13;
	v6 =	vtrunc.f32 v6  }
0x49: {  	vm0 =	vnez.u8 v10;
	v3 =	vadd.s32 v3, v4;
	v0 =	vcvt.f32.s32 v6  }
0x4a: {  	v4 =	vimm.s32 $0x0;
	v9 =	vsel vm0, $0x0, v9;
	v6 =	vadd.s32 v2, v1  }
0x4b: {  	v1 =	vimm.s32 $0x0;
	vm2 =	veq.s32 v0, $0x0;
	vm0 =	veq.s32 v0, $0x1  }
0x4c: {  	vm6 =	veq.s32 v0, $0x11;
	vm3 =	veq.s32 v0, $0x4;
	vm4 =	veq.s32 v0, $0x1A  }
0x4d: {  	vm13 =	veq.s32 v0, $0x5;
	vm14 =	veq.s32 v0, $0x18;
	vm7 =	veq.s32 v0, $0x7  }
0x4e: {  	v4 =	vsel vm0, $0xFFFFFFFF, v4;
	vm0 =	veq.s32 v0, $0xF;
	v5 =	vmpcnt.ones.xlane vm7  }
0x4f: {  	vm7 =	veq.s32 v0, $0x8;
	v13 =	vmpcnt.ones.xlane vm3;
	[tilespmem:$0x1FFB0] =	vst v4;
	v4 =	vimm.s32 $0x0  }
0x50: {  	vm3 =	veq.s32 v0, $0x14;
	v4 =	vsel vm0, $0xFFFFFFFF, v4;
	vm0 =	veq.s32 v0, $0x3  }
0x51: {  	[tilespmem:$0x1FFD0] =	vst v4;
	v4 =	vmpcnt.ones.xlane vm2;
	v1 =	vsel vm0, $0xFFFFFFFF, v1;
	vm2 =	vmmov vm12  }
0x52: {  	vm12 =	vmmov vm5;
	vm5 =	veq.s32 v0, $0x2;
	vm0 =	veq.s32 v0, $0x19  }
0x53: {  	[tilespmem:$0x1FFC0] =	vst v1;
	v1 =	vadd.s32 v9, v3;
	v3 =	vimm.s32 $0x0;
	v5 =	vsel vm12, $0x0, v5  }
0x54: {  	v9 =	vmpcnt.ones.xlane vm6;
	vm6 =	veq.s32 v0, $0x15;
	v10 =	vmpcnt.ones.xlane vm5  }
0x55: {  	vm5 =	veq.s32 v0, $0x13;
	v2 =	vnsel vm10, $0x0, v4;
	v3 =	vsel vm0, $0xFFFFFFFF, v3  }
0x56: {  	vm0 =	vcmask $0x272C;
	v16 =	vmpcnt.ones.xlane vm6;
	v8 =	vadd.s32 v1, v2  }
0x57: {  	v2 =	vmpcnt.ones.xlane vm13;
	vm13 =	vmmov vm8;
	vm8 =	veq.s32 v0, $0x10  }
0x58: {  	v1 =	vmpcnt.ones.xlane vm4;
	vm4 =	veq.s32 v0, $0x6;
	v7 =	vmpcnt.ones.xlane vm8  }
0x59: {  	v4 =	vmpcnt.ones.xlane vm4;
	vm4 =	veq.s32 v0, $0x12;
	vm8 =	veq.s32 v0, $0xB  }
0x5a: {  	[tilespmem:$0x1FFE0] =	vst v3;
	v1 =	vsel vm0, $0x0, v1;
	v3 =	vsel vm15, $0x0, v2;
	v7 =	vnsel vm10, $0x0, v7  }
0x5b: {  	v2 =	vmpcnt.ones.xlane vm14;
	vm0 =	vcmask $0x171C;
	v6 =	vadd.s32 v6, v7  }
0x5c: {  	v7 =	vsel vm9, $0x0, v9;
	v9 =	vmpcnt.ones.xlane vm7;
	vm7 =	veq.s32 v0, $0x16  }
0x5d: {  	v11 =	vadd.s32 v7, v6;
	v7 =	vmpcnt.ones.xlane vm7;
	vm7 =	vmmov vm11  }
0x5e: {  	vm14 =	veq.s32 v0, $0xC;
	v4 =	vsel vm0, $0x0, v4;
	v15 =	vsel vm7, $0x0, v10;
	v10 =	vld [tilespmem:$0x1FFB0]  }
0x5f: {  	vm0 =	vmmov vm10;
	vm10 =	vmmov vm9;
	vm9 =	veq.s32 v0, $0x17  }
0x60: {  	v18 =	vmpcnt.ones.xlane vm4;
	vm4 =	vcmask $0xB10;
	v12 =	vmpcnt.ones.xlane vm9  }
0x61: {  	vm9 =	vmmov vm10;
	vm10 =	vmmov vm0;
	vm0 =	vcmask $0x1F24  }
0x62: {  	v14 =	vld [tilespmem:$0x1FFC0];
	vm11 =	vmmov vm1;
	v6 =	vsel vm0, $0x0, v9;
	v9 =	vmpcnt.ones.xlane vm5  }
0x63: {  	vm5 =	vmmov vm12;
	vm12 =	vmmov vm2;
	vm0 =	vnez.u8 v10  }
0x64: {  	vm2 =	veq.s32 v0, $0xA;
	v18 =	vsel vm7, $0x0, v18;
	v10 =	vmpcnt.ones.xlane vm0  }
0x65: {  	vm1 =	veq.s32 v0, $0x9;
	v21 =	vmpcnt.ones.xlane vm2;
	v18 =	vadd.s32 v18, v11  }
0x66: {  	v22 =	vld [tilespmem:$0x1FFD0];
	v11 =	vsel vm15, $0x0, v16;
	v19 =	vsel vm4, $0x0, v9;
	v63 =	vsel vm9, $0x0, v10  }
0x67: {  	v9 =	vmpcnt.ones.xlane vm1;
	vm0 =	vnez.u8 v14;
	v8 =	vadd.s32 v63, v8  }
0x68: {  	p0 =	sne.s32 s11, $0x7C0;
	v14 =	vmpcnt.ones.xlane vm8;
	vm8 =	vmmov vm13;
	v15 =	vadd.s32 v15, v8;
	v8 =	vld [tilespmem:$0x1FFE0]  }
.Ltmp0:
0x69: {  	vm13 =	vcmask $0x373C;
	v17 =	vmpcnt.ones.xlane vm0;
	vm0 =	vcmask $0xF14;
	(pc) =	sbr.rel @p0 .LBB2_2-.Ltmp0, $4  }
0x6a: {  	v13 =	vsel vm0, $0x0, v13;
	v10 =	vmpcnt.ones.xlane vm3;
	vm0 =	vcmask $0x2328  }
0x6b: {  	vm3 =	vnez.u8 v22;
	v17 =	vsel vm4, $0x0, v17;
	v9 =	vsel vm0, $0x0, v9  }
0x6c: {  	vm0 =	vcmask $0x272C;
	v16 =	vadd.s32 v17, v15;
	v15 =	vadd.s32 v19, v18  }
0x6d: {  	s11 =	sadd.s32 $0x40, s11;
	vm15 =	vnez.u8 v8;
	v8 =	vsel vm5, $0x0, v12;
	v12 =	vsel vm0, $0x0, v21  }
0x6e: {  	v14 =	vsel vm8, $0x0, v14  }
0x6f: {  	vm1 =	veq.s32 v0, $0xE;
	vm2 =	veq.s32 v0, $0xD;
	v13 =	vadd.s32 v13, v16  }
0x70: {  	vm0 =	vcmask $0x171C;
	v52 =	vmpcnt.ones.xlane vm15;
	v58 =	vmpcnt.ones.xlane vm14  }
0x71: {  	v60 =	vmpcnt.ones.xlane vm3;
	v17 =	vmpcnt.ones.xlane vm1;
	v7 =	vsel vm0, $0x0, v7  }
0x72: {  	v3 =	vadd.s32 v3, v13;
	v53 =	vmpcnt.ones.xlane vm2;
	vm1 =	veq.s32 v0, $0x1B  }
0x73: {  	vm0 =	vcmask $0xF14;
	v54 =	vadd.s32 v4, v3;
	v56 =	vmpcnt.ones.xlane vm1  }
0x74: {  	v10 =	vsel vm0, $0x0, v10;
	vm0 =	vcmask $0x1F24;
	v55 =	vsel vm13, $0x0, v17  }
0x75: {  	v0 =	vadd.s32 v5, v54;
	v57 =	vsel vm12, $0x0, v53;
	v10 =	vadd.s32 v10, v15  }
0x76: {  	v62 =	vld [tilespmem:$0x1FFF0];
	v2 =	vsel vm0, $0x0, v2;
	v0 =	vadd.s32 v6, v0;
	v59 =	vadd.s32 v11, v10  }
0x77: {  	vm0 =	vcmask $0x2328;
	v0 =	vadd.s32 v9, v0;
	v7 =	vadd.s32 v7, v59  }
0x78: {  	v6 =	vsel vm11, $0x0, v58;
	v0 =	vadd.s32 v12, v0;
	v7 =	vadd.s32 v8, v7  }
0x79: {  	v61 =	vsel vm0, $0x0, v52;
	v0 =	vadd.s32 v14, v0;
	v2 =	vadd.s32 v2, v7  }
0x7a: {  	v63 =	vsel vm8, $0x0, v56;
	v0 =	vadd.s32 v6, v0;
	v2 =	vadd.s32 v61, v2  }
0x7b: {  	vm1 =	vnez.u8 v62;
	v0 =	vadd.s32 v57, v0;
	v1 =	vadd.s32 v1, v2  }
0x7c: {  	v5 =	vsel vm1, $0x0, v60;
	v0 =	vadd.s32 v55, v0;
	v1 =	vadd.s32 v63, v1  }
0x7d: {  	v0 =	vadd.s32 v5, v0;
	v1 =	vcvt.s32.f32 v1  }
0x7e: {  	s10 =	sadd.s32 $0x1, s10;
	v0 =	vcvt.s32.f32 v0  }
0x7f: {  	p0 =	sne.s32 s10, s6;
	[tilespmem:$0x410] =	vst v1  }
.Ltmp1:
0x80: {  	[tilespmem:$0x400] =	vst v0;
	(pc) =	sbr.rel @p0 .LBB2_1-.Ltmp1, $4  }
0x81: {  	[hbm4b:s5+s2] =	stream.linear.scatter [tilespmem:s9], [sflag:$0x1], $0x20, $0x38;
	[tilespmem:$0x480] =	vst v63  }
0x82: {  	_ =	swait.ge [sflag:s7], $0x20  }
0x83: {  	[sflag:s7] =	ssyncset.done $0x0  }
0x84: {  	vm6 =	vcmask $0x272C;
	vm0 =	vcmask $0x1318;
	[sflag:s7] =	ssyncadd.s32 $0xFFFFFFE0  }
0x85: {  	_ =	sfence.sel $0x180000  }
0x86: {  	[bflag:$0x0] =	sbarrier.arrive $0xFFFF  }
0x87: {  	p0 =	sne.s32 s1, $0x0;
	_ =	strace $0x90000047  }
0x88: {  	s0 =	sadd.s32 @!p0 $0x100000, s0;
	[bflag:$0x2] =	sbarrier.arrive $0xFFFF  }
0x89: {  	[sflag:s0] =	ssyncadd.tile.s32 @!p0 $0x1;
	_ =	shalt  }
.Lfunc_end2:
_tile_overlayer_lowered:
.L_overlay_start_2:
0x8a: {  	(tag) =	ssettag $0x2  }
0x8b: {  	s0 =	rddreg [dreg:$0x0];
	s2 =	stileid.u32  }
0x8c: {  	s1 =	rddreg [dreg:$0x1];
	p0 =	sne.s32 s2, $0x0  }
0x8d: {  	s3 =	rddreg [dreg:$0x2];
	[bflag:$0x3] =	sbarrier.arrive $0xFFFF;
	s2 =	simm.s32 @!p0 $0x1C01  }
0x8e: {  	[timem:s3], [sflag:s2] =	dma.local @!p0 [hbm:s0], s1  }
0x8f: {  	s0 =	simm.s32 @!p0 $0x1  }
0x90: {  	_ =	swait.ge @!p0 [sflag:s0], s1  }
0x91: {  	s1 =	ssub.s32 @!p0 $0x0, s1;
	[sflag:s0] =	ssyncset.done @!p0 $0x0  }
0x92: {  	[sflag:s0] =	ssyncadd.s32 @!p0 s1  }
0x93: {  	[bflag:$0x3] =	sbarrier.arrive $0xFFFF  }
0x94: {  	_ =	shalt  }

</sc_bundles>
